<compile_context>
chip_gen: v7x
topology: tpu7x:2x2x1
jax: 0.10.2.dev20260603
libtpu: 0.0.44.dev20260713+nightly
codegen_flags: <defaults>
</compile_context>

<pallas_src>
import functools

import jax
import jax.numpy as jnp
from jax import lax
from jax.experimental import pallas as pl
from jax.experimental.pallas import tpu as pltpu
from jax.experimental.pallas import tpu_sc as plsc

_N = 10000
_E = 160000
_D = 256
_H1 = 512
_H2 = 128
_C = 4

_L = 128
_NACC = 10240
_RPT = _NACC // 16
_SENT = _N
_STG = 40
_EP = 163840
_NB1 = _EP // (16 * _L)
_NB2 = _EP // (32 * _L)


def _zero_rows(buf, ncols):
    z = jnp.zeros((16,), jnp.float32)

    def body(r, _):
        for k in range(ncols // 16):
            buf[r, pl.ds(k * 16, 16)] = z
        return 0

    lax.fori_loop(0, 128, body, 0)


def _fill_rows(buf, ncols, val):
    v = jnp.full((16,), val, jnp.float32)

    def body(r, _):
        for k in range(ncols // 16):
            buf[r, pl.ds(k * 16, 16)] = v
        return 0

    lax.fori_loop(0, 128, body, 0)


_DW = 128


def _make_deg_kernel():
    mesh = plsc.VectorSubcoreMesh(core_axis_name="c", subcore_axis_name="s")

    @functools.partial(
        pl.kernel,
        out_type=jax.ShapeDtypeStruct((2 * _NACC, _DW), jnp.float32),
        mesh=mesh,
        scratch_types=[
            pltpu.VMEM((_NB2, _L), jnp.int32),
            pltpu.VMEM((128, _DW), jnp.float32),
            pltpu.VMEM_SHARED((_NACC, _DW), jnp.float32),
        ],
    )
    def deg_kernel(dst_hbm, out_hbm, dst_v, gbuf, acc):
        c = lax.axis_index("c")
        s = lax.axis_index("s")
        w = c * 16 + s
        _zero_rows(gbuf, _DW)
        base = s * _RPT
        for k in range(_RPT // 128):
            pltpu.sync_copy(gbuf, acc.at[pl.ds(base + k * 128, 128)])
        rem = _RPT % 128
        if rem:
            pltpu.sync_copy(gbuf.at[pl.ds(0, rem)],
                            acc.at[pl.ds(base + _RPT - rem, rem)])
        plsc.subcore_barrier()
        _fill_rows(gbuf, _DW, 1.0)
        pltpu.sync_copy(dst_hbm.at[w], dst_v)

        def body(j, _):
            pltpu.sync_copy(gbuf, acc.at[dst_v.at[j]], add=True)
            return 0

        lax.fori_loop(0, _NB2, body, 0)
        plsc.subcore_barrier()
        pltpu.sync_copy(
            acc.at[pl.ds(base, _RPT)],
            out_hbm.at[pl.ds(c * _NACC + base, _RPT)],
        )

    return deg_kernel


def _make_scatter_kernel(nb):
    mesh = plsc.VectorSubcoreMesh(core_axis_name="c", subcore_axis_name="s")

    stage = _STG
    nstg = nb // stage

    def body_fn(table_hbm, src_hbm, dst_hbm, out_hbm, src_v, dst_v, buf_a,
                buf_b, gs_a, gs_b, ss_a, ss_b, acc):
        c = lax.axis_index("c")
        s = lax.axis_index("s")
        w = c * 16 + s
        _zero_rows(buf_a, 128)
        base = s * _RPT
        for k in range(_RPT // 128):
            pltpu.sync_copy(buf_a, acc.at[pl.ds(base + k * 128, 128)])
        rem = _RPT % 128
        if rem:
            pltpu.sync_copy(buf_a.at[pl.ds(0, rem)],
                            acc.at[pl.ds(base + _RPT - rem, rem)])
        plsc.subcore_barrier()

        bufs = [buf_a, buf_b]
        gsems = [gs_a, gs_b]
        ssems = [ss_a, ss_b]

        def waitg(k):
            pltpu.make_async_copy(
                table_hbm.at[pl.ds(0, _L)], bufs[k], gsems[k]).wait()

        def waits(k):
            pltpu.make_async_copy(
                bufs[k], acc.at[pl.ds(0, _L)], ssems[k]).wait()

        def gather(j, k):
            pltpu.async_copy(table_hbm.at[src_v.at[j]], bufs[k], gsems[k])

        def scatter(j, k):
            pltpu.async_copy(bufs[k], acc.at[dst_v.at[j]], ssems[k], add=True)

        def run_stage(st, _):
            pltpu.sync_copy(src_hbm.at[w, pl.ds(st * stage, stage)], src_v)
            pltpu.sync_copy(dst_hbm.at[w, pl.ds(st * stage, stage)], dst_v)
            gather(0, 0)

            def step(j, k, do_waits):
                waitg(k)
                scatter(j, k)
                kn = 1 - k
                if do_waits:
                    waits(kn)
                gather(j + 1, kn)

            def pipe(m, _):
                step(2 * m, 0, True)
                step(2 * m + 1, 1, True)
                return 0

            step(0, 0, False)
            step(1, 1, True)
            lax.fori_loop(1, stage // 2 - 1, pipe, 0)
            j = stage - 2
            waitg(0)
            scatter(j, 0)
            waits(1)
            gather(j + 1, 1)
            waitg(1)
            scatter(j + 1, 1)
            waits(0)
            waits(1)
            return 0

        lax.fori_loop(0, nstg, run_stage, 0)
        plsc.subcore_barrier()
        pltpu.sync_copy(
            acc.at[pl.ds(base, _RPT)],
            out_hbm.at[pl.ds(c * _NACC + base, _RPT)],
        )

    return functools.partial(
        pl.kernel,
        out_type=jax.ShapeDtypeStruct((2 * _NACC, 128), jnp.float32),
        mesh=mesh,
        scratch_types=[
            pltpu.VMEM((stage, _L), jnp.int32),
            pltpu.VMEM((stage, _L), jnp.int32),
            pltpu.VMEM((_L, 128), jnp.float32),
            pltpu.VMEM((_L, 128), jnp.float32),
            pltpu.SemaphoreType.DMA,
            pltpu.SemaphoreType.DMA,
            pltpu.SemaphoreType.DMA,
            pltpu.SemaphoreType.DMA,
            pltpu.VMEM_SHARED((_NACC, 128), jnp.float32),
        ],
    )(body_fn)


_BN = 1000


def _tc_prep(x, d0, d1):

    def body(x_ref, d0_ref, d1_ref, g_ref, dis_ref):
        deg = d0_ref[:, :1] + d1_ref[:, :1] + 1.0
        dis = lax.rsqrt(deg)
        dis_ref[...] = dis
        g_ref[...] = x_ref[...] * dis

    nblk = _N // _BN
    return pl.pallas_call(
        body,
        grid=(2, nblk),
        in_specs=[
            pl.BlockSpec((_BN, 128), lambda h, i: (i, h)),
            pl.BlockSpec((_BN, _DW), lambda h, i: (i, 0)),
            pl.BlockSpec((_BN, _DW), lambda h, i: (i, 0)),
        ],
        out_specs=[
            pl.BlockSpec((_BN, 128), lambda h, i: (h * nblk + i, 0)),
            pl.BlockSpec((_BN, 1), lambda h, i: (i, 0)),
        ],
        out_shape=[
            jax.ShapeDtypeStruct((2 * _N, 128), jnp.float32),
            jax.ShapeDtypeStruct((_N, 1), jnp.float32),
        ],
    )(x, d0, d1)


def _tc_mid(sa, sb, ga, gb, dis, w1a, w1b, b1, w2):

    def body(sa_ref, sb_ref, ga_ref, gb_ref, dis_ref, w1a_ref, w1b_ref,
             b1_ref, w2_ref, g2_ref):
        dis = dis_ref[...]
        aa = (sa_ref[...] + ga_ref[...]) * dis
        ab = (sb_ref[...] + gb_ref[...]) * dis
        h1 = jnp.dot(aa, w1a_ref[...], preferred_element_type=jnp.float32)
        h1 += jnp.dot(ab, w1b_ref[...], preferred_element_type=jnp.float32)
        h1 = jnp.maximum(h1 + b1_ref[...], 0.0)
        p2 = jnp.dot(h1, w2_ref[...], preferred_element_type=jnp.float32)
        g2_ref[...] = p2 * dis

    nblk = _N // _BN
    return pl.pallas_call(
        body,
        grid=(nblk,),
        in_specs=[
            pl.BlockSpec((_BN, 128), lambda i: (i, 0)),
            pl.BlockSpec((_BN, 128), lambda i: (i, 0)),
            pl.BlockSpec((_BN, 128), lambda i: (i, 0)),
            pl.BlockSpec((_BN, 128), lambda i: (i, 0)),
            pl.BlockSpec((_BN, 1), lambda i: (i, 0)),
            pl.BlockSpec((128, _H1), lambda i: (0, 0)),
            pl.BlockSpec((128, _H1), lambda i: (0, 0)),
            pl.BlockSpec((1, _H1), lambda i: (0, 0)),
            pl.BlockSpec((_H1, _H2), lambda i: (0, 0)),
        ],
        out_specs=pl.BlockSpec((_BN, _H2), lambda i: (i, 0)),
        out_shape=jax.ShapeDtypeStruct((_N, _H2), jnp.float32),
    )(sa, sb, ga, gb, dis, w1a, w1b, b1, w2)


def _tc_final(s2a, s2b, g2, dis, b2, wfc, bfc):

    def body(sa_ref, sb_ref, g2_ref, dis_ref, b2_ref, wfc_ref, bfc_ref,
             out_ref):
        a = (sa_ref[...] + sb_ref[...] + g2_ref[...]) * dis_ref[...]
        h2 = jnp.maximum(a + b2_ref[...], 0.0)
        logits = jnp.dot(h2, wfc_ref[...], preferred_element_type=jnp.float32)
        logits += bfc_ref[...]
        m = jnp.max(logits, axis=1, keepdims=True)
        z = logits - m
        lse = jnp.log(jnp.sum(jnp.exp(z), axis=1, keepdims=True))
        out_ref[...] = z - lse

    nblk = _N // _BN
    return pl.pallas_call(
        body,
        grid=(nblk,),
        in_specs=[
            pl.BlockSpec((_BN, _H2), lambda i: (i, 0)),
            pl.BlockSpec((_BN, _H2), lambda i: (i, 0)),
            pl.BlockSpec((_BN, _H2), lambda i: (i, 0)),
            pl.BlockSpec((_BN, 1), lambda i: (i, 0)),
            pl.BlockSpec((1, _H2), lambda i: (0, 0)),
            pl.BlockSpec((_H2, _C), lambda i: (0, 0)),
            pl.BlockSpec((1, _C), lambda i: (0, 0)),
        ],
        out_specs=pl.BlockSpec((_BN, _C), lambda i: (i, 0)),
        out_shape=jax.ShapeDtypeStruct((_N, _C), jnp.float32),
    )(s2a, s2b, g2, dis, b2, wfc, bfc)


@jax.jit
def kernel(x, edge_index, W1, b1, W2, b2, Wfc, bfc):
    src = edge_index[0]
    dst = edge_index[1]
    pad = _EP - _E
    srcp = jnp.concatenate([src, jnp.zeros((pad,), jnp.int32)])
    sent = _SENT + jnp.arange(pad, dtype=jnp.int32) % (_NACC - _N)
    dstp = jnp.concatenate([dst, sent])

    perm = jnp.arange(32, dtype=jnp.int32).reshape(16, 2).T.reshape(32)
    src2 = srcp.reshape(32, _NB2, _L)[perm]
    dst2 = dstp.reshape(32, _NB2, _L)[perm]
    src1 = (srcp.reshape(1, 16, _NB1, _L)
            + jnp.array([0, _N], jnp.int32).reshape(2, 1, 1, 1)
            ).reshape(32, _NB1, _L)
    dst1 = jnp.broadcast_to(
        dstp.reshape(1, 16, _NB1, _L), (2, 16, _NB1, _L)
    ).reshape(32, _NB1, _L)

    degcat = _make_deg_kernel()(dstp.reshape(32, _NB2, _L))
    d0 = degcat[:_N]
    d1 = degcat[_NACC:_NACC + _N]

    gcat, dis = _tc_prep(x, d0, d1)

    s1cat = _make_scatter_kernel(_NB1)(gcat, src1, dst1)
    g2 = _tc_mid(
        s1cat[:_N], s1cat[_NACC:_NACC + _N],
        gcat[:_N], gcat[_N:],
        dis, W1[:128], W1[128:], b1.reshape(1, _H1), W2,
    )

    s2cat = _make_scatter_kernel(_NB2)(g2, src2, dst2)
    return _tc_final(
        s2cat[:_N], s2cat[_NACC:_NACC + _N], g2, dis,
        b2.reshape(1, _H2), Wfc, bfc.reshape(1, _C),
    )

# --- scband reference (transcript-rebuilt; emitter-appended) ---
"""Pipeline reference for scband-node-gnnmodel-58695023067295 (READ-ONLY COPY).

The authoritative reference and input builder live on the scoring server;
editing this copy changes nothing except your own understanding.
"""

import jax, jax.numpy as jnp
import numpy as np

N = 10000
E = 160000
D = 256
H1 = 512
H2 = 128
C = 4


def setup_inputs(seed: int = 0) -> dict:
    key = jax.random.key(seed)
    ks = jax.random.split(key, 9)
    x = jax.random.normal(ks[0], (N, D), dtype=jnp.float32)
    edge_index = jax.random.randint(ks[1], (2, E), 0, N, dtype=jnp.int32)
    W1 = jax.random.normal(ks[2], (D, H1), dtype=jnp.float32) * (1.0 / np.sqrt(D))
    b1 = jnp.zeros((H1,), dtype=jnp.float32)
    W2 = jax.random.normal(ks[3], (H1, H2), dtype=jnp.float32) * (1.0 / np.sqrt(H1))
    b2 = jnp.zeros((H2,), dtype=jnp.float32)
    Wfc = jax.random.normal(ks[4], (H2, C), dtype=jnp.float32) * (1.0 / np.sqrt(H2))
    bfc = jnp.zeros((C,), dtype=jnp.float32)
    return {"x": x, "edge_index": edge_index, "W1": W1, "b1": b1, "W2": W2, "b2": b2, "Wfc": Wfc, "bfc": bfc}


def _gcn_conv(x, edge_index, W, b):
    num_nodes = x.shape[0]
    self_idx = jnp.arange(num_nodes, dtype=edge_index.dtype)
    src = jnp.concatenate([edge_index[0], self_idx])
    dst = jnp.concatenate([edge_index[1], self_idx])
    deg = jnp.zeros((num_nodes,), dtype=x.dtype).at[dst].add(1.0)
    deg_inv_sqrt = jnp.where(deg > 0, 1.0 / jnp.sqrt(jnp.clip(deg, 1.0)), 0.0)
    norm = deg_inv_sqrt[src] * deg_inv_sqrt[dst]
    h = x @ W
    msg = h[src] * norm[:, None]
    out = jnp.zeros((num_nodes, W.shape[1]), dtype=x.dtype).at[dst].add(msg)
    return out + b


def reference(x, edge_index, W1, b1, W2, b2, Wfc, bfc):
    h = jax.nn.relu(_gcn_conv(x, edge_index, W1, b1))
    h = jax.nn.relu(_gcn_conv(h, edge_index, W2, b2))
    out = h @ Wfc + bfc
    return jax.nn.log_softmax(out, axis=1)

if __name__ == "__main__":
    import jax
    _d = setup_inputs()
    print(jax.jit(kernel)(*tuple(_d.values())))

</pallas_src>

<mosaic_0001>
#map = affine_map<(d0, d1) -> (0, 0, 0)>
#map1 = affine_map<(d0, d1) -> (0, 0)>
module attributes {stable_mosaic.version = 14 : i64} {
  func.func @deg_kernel(%arg0: i32, %arg1: i32, %arg2: memref<32x40x128xi32, #tpu.memory_space<hbm>>, %arg3: memref<20480x128xf32, #tpu.memory_space<hbm>>, %arg4: memref<40x128xi32, #tpu.memory_space<vmem>>, %arg5: memref<128x128xf32, #tpu.memory_space<vmem>>, %arg6: memref<10240x128xf32, #tpu.memory_space<vmem_shared>>) attributes {dimension_semantics = [#tpu.dimension_semantics<core_parallel>, #tpu.dimension_semantics<subcore_parallel>], iteration_bounds = array<i64: 2, 16>, scalar_prefetch = 0 : i64, scratch_operands = 3 : i64, tpu.core_type = #tpu.core_type<sc_vector_subcore>, window_params = [{transform_indices = #map}, {transform_indices = #map1}]} {
    %mul3A = arith.constant 16 : i32
    %mul3A_0 = arith.muli %arg0, %mul3A : i32
    %add3A = arith.addi %mul3A_0, %arg1 : i32
    %broadcast_in_dim3A = arith.constant 0.000000e+00 : f32
    %broadcast_in_dim3A_1 = vector.broadcast %broadcast_in_dim3A : f32 to vector<16xf32>
    %scan3A = arith.constant 0 : i32
    %scan3A_2 = arith.constant 0 : i32
    %scan3A_3 = arith.constant 128 : i32
    %scan3A_4 = arith.addi %scan3A_2, %scan3A_3 : i32
    %scan3A_5 = arith.constant 1 : i32
    %scan3A_6 = scf.for %scan3A_40 = %scan3A_2 to %scan3A_4 step %scan3A_5 iter_args(%scan3A_41 = %scan3A) -> (i32)  : i32 {
      %swap3A = arith.index_cast %scan3A_40 : i32 to index
      %swap3A_42 = arith.constant 0 : index
      %swap3A_43 = tpu.vector_load %arg5[%swap3A, %swap3A_42] {strides = array<i32>} : memref<128x128xf32, #tpu.memory_space<vmem>>, vector<1x16xf32>,
      %swap3A_44 = vector.shape_cast %swap3A_43 : vector<1x16xf32> to vector<16xf32>
      %swap3A_45 = vector.shape_cast %broadcast_in_dim3A_1 : vector<16xf32> to vector<1x16xf32>
      tpu.vector_store %arg5[%swap3A, %swap3A_42], %swap3A_45 {strides = array<i32>} : memref<128x128xf32, #tpu.memory_space<vmem>>, vector<1x16xf32>,
      %swap3A_46 = arith.index_cast %scan3A_40 : i32 to index
      %swap3A_47 = arith.constant 16 : index
      %swap3A_48 = tpu.vector_load %arg5[%swap3A_46, %swap3A_47] {strides = array<i32>} : memref<128x128xf32, #tpu.memory_space<vmem>>, vector<1x16xf32>,
      %swap3A_49 = vector.shape_cast %swap3A_48 : vector<1x16xf32> to vector<16xf32>
      %swap3A_50 = vector.shape_cast %broadcast_in_dim3A_1 : vector<16xf32> to vector<1x16xf32>
      tpu.vector_store %arg5[%swap3A_46, %swap3A_47], %swap3A_50 {strides = array<i32>} : memref<128x128xf32, #tpu.memory_space<vmem>>, vector<1x16xf32>,
      %swap3A_51 = arith.index_cast %scan3A_40 : i32 to index
      %swap3A_52 = arith.constant 32 : index
      %swap3A_53 = tpu.vector_load %arg5[%swap3A_51, %swap3A_52] {strides = array<i32>} : memref<128x128xf32, #tpu.memory_space<vmem>>, vector<1x16xf32>,
      %swap3A_54 = vector.shape_cast %swap3A_53 : vector<1x16xf32> to vector<16xf32>
      %swap3A_55 = vector.shape_cast %broadcast_in_dim3A_1 : vector<16xf32> to vector<1x16xf32>
      tpu.vector_store %arg5[%swap3A_51, %swap3A_52], %swap3A_55 {strides = array<i32>} : memref<128x128xf32, #tpu.memory_space<vmem>>, vector<1x16xf32>,
      %swap3A_56 = arith.index_cast %scan3A_40 : i32 to index
      %swap3A_57 = arith.constant 48 : index
      %swap3A_58 = tpu.vector_load %arg5[%swap3A_56, %swap3A_57] {strides = array<i32>} : memref<128x128xf32, #tpu.memory_space<vmem>>, vector<1x16xf32>,
      %swap3A_59 = vector.shape_cast %swap3A_58 : vector<1x16xf32> to vector<16xf32>
      %swap3A_60 = vector.shape_cast %broadcast_in_dim3A_1 : vector<16xf32> to vector<1x16xf32>
      tpu.vector_store %arg5[%swap3A_56, %swap3A_57], %swap3A_60 {strides = array<i32>} : memref<128x128xf32, #tpu.memory_space<vmem>>, vector<1x16xf32>,
      %swap3A_61 = arith.index_cast %scan3A_40 : i32 to index
      %swap3A_62 = arith.constant 64 : index
      %swap3A_63 = tpu.vector_load %arg5[%swap3A_61, %swap3A_62] {strides = array<i32>} : memref<128x128xf32, #tpu.memory_space<vmem>>, vector<1x16xf32>,
      %swap3A_64 = vector.shape_cast %swap3A_63 : vector<1x16xf32> to vector<16xf32>
      %swap3A_65 = vector.shape_cast %broadcast_in_dim3A_1 : vector<16xf32> to vector<1x16xf32>
      tpu.vector_store %arg5[%swap3A_61, %swap3A_62], %swap3A_65 {strides = array<i32>} : memref<128x128xf32, #tpu.memory_space<vmem>>, vector<1x16xf32>,
      %swap3A_66 = arith.index_cast %scan3A_40 : i32 to index
      %swap3A_67 = arith.constant 80 : index
      %swap3A_68 = tpu.vector_load %arg5[%swap3A_66, %swap3A_67] {strides = array<i32>} : memref<128x128xf32, #tpu.memory_space<vmem>>, vector<1x16xf32>,
      %swap3A_69 = vector.shape_cast %swap3A_68 : vector<1x16xf32> to vector<16xf32>
      %swap3A_70 = vector.shape_cast %broadcast_in_dim3A_1 : vector<16xf32> to vector<1x16xf32>
      tpu.vector_store %arg5[%swap3A_66, %swap3A_67], %swap3A_70 {strides = array<i32>} : memref<128x128xf32, #tpu.memory_space<vmem>>, vector<1x16xf32>,
      %swap3A_71 = arith.index_cast %scan3A_40 : i32 to index
      %swap3A_72 = arith.constant 96 : index
      %swap3A_73 = tpu.vector_load %arg5[%swap3A_71, %swap3A_72] {strides = array<i32>} : memref<128x128xf32, #tpu.memory_space<vmem>>, vector<1x16xf32>,
      %swap3A_74 = vector.shape_cast %swap3A_73 : vector<1x16xf32> to vector<16xf32>
      %swap3A_75 = vector.shape_cast %broadcast_in_dim3A_1 : vector<16xf32> to vector<1x16xf32>
      tpu.vector_store %arg5[%swap3A_71, %swap3A_72], %swap3A_75 {strides = array<i32>} : memref<128x128xf32, #tpu.memory_space<vmem>>, vector<1x16xf32>,
      %swap3A_76 = arith.index_cast %scan3A_40 : i32 to index
      %swap3A_77 = arith.constant 112 : index
      %swap3A_78 = tpu.vector_load %arg5[%swap3A_76, %swap3A_77] {strides = array<i32>} : memref<128x128xf32, #tpu.memory_space<vmem>>, vector<1x16xf32>,
      %swap3A_79 = vector.shape_cast %swap3A_78 : vector<1x16xf32> to vector<16xf32>
      %swap3A_80 = vector.shape_cast %broadcast_in_dim3A_1 : vector<16xf32> to vector<1x16xf32>
      tpu.vector_store %arg5[%swap3A_76, %swap3A_77], %swap3A_80 {strides = array<i32>} : memref<128x128xf32, #tpu.memory_space<vmem>>, vector<1x16xf32>,
      %scan3A_81 = arith.constant 0 : i32
      scf.yield %scan3A_81 : i32
    }
    %scan3A_7 = arith.constant 128 : i32
    %mul3A_8 = arith.constant 640 : i32
    %mul3A_9 = arith.muli %arg1, %mul3A_8 : i32
    %add3A_10 = arith.constant 0 : i32
    %add3A_11 = arith.addi %mul3A_9, %add3A_10 : i32
    "tpu.region"() ({
      %run_scoped3A = tpu.sem_alloc : memref<!tpu.dma_semaphore, #tpu.memory_space<semaphore_mem>>
      %dma_start3A = arith.constant 0 : i32
      %dma_start3A_40 = tpu.memref_slice %arg6[%add3A_11, %dma_start3A] : memref<10240x128xf32, #tpu.memory_space<vmem_shared>> -> memref<128x128xf32, #tpu.memory_space<vmem_shared>>
      %dma_start3A_41 = arith.constant 0 : i32
      %dma_start3A_42 = tpu.memref_slice %arg6[%add3A_11, %dma_start3A_41] : memref<10240x128xf32, #tpu.memory_space<vmem_shared>> -> memref<128x128xf32, #tpu.memory_space<vmem_shared>>
      tpu.enqueue_dma source(%arg5 : memref<128x128xf32, #tpu.memory_space<vmem>>) target(%dma_start3A_42 : memref<128x128xf32, #tpu.memory_space<vmem_shared>>) target_semaphore(%run_scoped3A : memref<!tpu.dma_semaphore, #tpu.memory_space<semaphore_mem>>)
      %dma_wait3A = arith.constant 0 : i32
      %dma_wait3A_43 = tpu.memref_slice %arg6[%add3A_11, %dma_wait3A] : memref<10240x128xf32, #tpu.memory_space<vmem_shared>> -> memref<128x128xf32, #tpu.memory_space<vmem_shared>>
      %dma_wait3A_44 = arith.constant 0 : i32
      %dma_wait3A_45 = tpu.memref_slice %arg6[%add3A_11, %dma_wait3A_44] : memref<10240x128xf32, #tpu.memory_space<vmem_shared>> -> memref<128x128xf32, #tpu.memory_space<vmem_shared>>
      tpu.wait_dma2 semaphore(%run_scoped3A : memref<!tpu.dma_semaphore, #tpu.memory_space<semaphore_mem>>) src(%arg5 : memref<128x128xf32, #tpu.memory_space<vmem>>) dst(%dma_wait3A_45 : memref<128x128xf32, #tpu.memory_space<vmem_shared>>)
      tpu.yield
    }) : () -> ()
    %add3A_12 = arith.constant 128 : i32
    %add3A_13 = arith.addi %mul3A_9, %add3A_12 : i32
    "tpu.region"() ({
      %run_scoped3A = tpu.sem_alloc : memref<!tpu.dma_semaphore, #tpu.memory_space<semaphore_mem>>
      %dma_start3A = arith.constant 0 : i32
      %dma_start3A_40 = tpu.memref_slice %arg6[%add3A_13, %dma_start3A] : memref<10240x128xf32, #tpu.memory_space<vmem_shared>> -> memref<128x128xf32, #tpu.memory_space<vmem_shared>>
      %dma_start3A_41 = arith.constant 0 : i32
      %dma_start3A_42 = tpu.memref_slice %arg6[%add3A_13, %dma_start3A_41] : memref<10240x128xf32, #tpu.memory_space<vmem_shared>> -> memref<128x128xf32, #tpu.memory_space<vmem_shared>>
      tpu.enqueue_dma source(%arg5 : memref<128x128xf32, #tpu.memory_space<vmem>>) target(%dma_start3A_42 : memref<128x128xf32, #tpu.memory_space<vmem_shared>>) target_semaphore(%run_scoped3A : memref<!tpu.dma_semaphore, #tpu.memory_space<semaphore_mem>>)
      %dma_wait3A = arith.constant 0 : i32
      %dma_wait3A_43 = tpu.memref_slice %arg6[%add3A_13, %dma_wait3A] : memref<10240x128xf32, #tpu.memory_space<vmem_shared>> -> memref<128x128xf32, #tpu.memory_space<vmem_shared>>
      %dma_wait3A_44 = arith.constant 0 : i32
      %dma_wait3A_45 = tpu.memref_slice %arg6[%add3A_13, %dma_wait3A_44] : memref<10240x128xf32, #tpu.memory_space<vmem_shared>> -> memref<128x128xf32, #tpu.memory_space<vmem_shared>>
      tpu.wait_dma2 semaphore(%run_scoped3A : memref<!tpu.dma_semaphore, #tpu.memory_space<semaphore_mem>>) src(%arg5 : memref<128x128xf32, #tpu.memory_space<vmem>>) dst(%dma_wait3A_45 : memref<128x128xf32, #tpu.memory_space<vmem_shared>>)
      tpu.yield
    }) : () -> ()
    %add3A_14 = arith.constant 256 : i32
    %add3A_15 = arith.addi %mul3A_9, %add3A_14 : i32
    "tpu.region"() ({
      %run_scoped3A = tpu.sem_alloc : memref<!tpu.dma_semaphore, #tpu.memory_space<semaphore_mem>>
      %dma_start3A = arith.constant 0 : i32
      %dma_start3A_40 = tpu.memref_slice %arg6[%add3A_15, %dma_start3A] : memref<10240x128xf32, #tpu.memory_space<vmem_shared>> -> memref<128x128xf32, #tpu.memory_space<vmem_shared>>
      %dma_start3A_41 = arith.constant 0 : i32
      %dma_start3A_42 = tpu.memref_slice %arg6[%add3A_15, %dma_start3A_41] : memref<10240x128xf32, #tpu.memory_space<vmem_shared>> -> memref<128x128xf32, #tpu.memory_space<vmem_shared>>
      tpu.enqueue_dma source(%arg5 : memref<128x128xf32, #tpu.memory_space<vmem>>) target(%dma_start3A_42 : memref<128x128xf32, #tpu.memory_space<vmem_shared>>) target_semaphore(%run_scoped3A : memref<!tpu.dma_semaphore, #tpu.memory_space<semaphore_mem>>)
      %dma_wait3A = arith.constant 0 : i32
      %dma_wait3A_43 = tpu.memref_slice %arg6[%add3A_15, %dma_wait3A] : memref<10240x128xf32, #tpu.memory_space<vmem_shared>> -> memref<128x128xf32, #tpu.memory_space<vmem_shared>>
      %dma_wait3A_44 = arith.constant 0 : i32
      %dma_wait3A_45 = tpu.memref_slice %arg6[%add3A_15, %dma_wait3A_44] : memref<10240x128xf32, #tpu.memory_space<vmem_shared>> -> memref<128x128xf32, #tpu.memory_space<vmem_shared>>
      tpu.wait_dma2 semaphore(%run_scoped3A : memref<!tpu.dma_semaphore, #tpu.memory_space<semaphore_mem>>) src(%arg5 : memref<128x128xf32, #tpu.memory_space<vmem>>) dst(%dma_wait3A_45 : memref<128x128xf32, #tpu.memory_space<vmem_shared>>)
      tpu.yield
    }) : () -> ()
    %add3A_16 = arith.constant 384 : i32
    %add3A_17 = arith.addi %mul3A_9, %add3A_16 : i32
    "tpu.region"() ({
      %run_scoped3A = tpu.sem_alloc : memref<!tpu.dma_semaphore, #tpu.memory_space<semaphore_mem>>
      %dma_start3A = arith.constant 0 : i32
      %dma_start3A_40 = tpu.memref_slice %arg6[%add3A_17, %dma_start3A] : memref<10240x128xf32, #tpu.memory_space<vmem_shared>> -> memref<128x128xf32, #tpu.memory_space<vmem_shared>>
      %dma_start3A_41 = arith.constant 0 : i32
      %dma_start3A_42 = tpu.memref_slice %arg6[%add3A_17, %dma_start3A_41] : memref<10240x128xf32, #tpu.memory_space<vmem_shared>> -> memref<128x128xf32, #tpu.memory_space<vmem_shared>>
      tpu.enqueue_dma source(%arg5 : memref<128x128xf32, #tpu.memory_space<vmem>>) target(%dma_start3A_42 : memref<128x128xf32, #tpu.memory_space<vmem_shared>>) target_semaphore(%run_scoped3A : memref<!tpu.dma_semaphore, #tpu.memory_space<semaphore_mem>>)
      %dma_wait3A = arith.constant 0 : i32
      %dma_wait3A_43 = tpu.memref_slice %arg6[%add3A_17, %dma_wait3A] : memref<10240x128xf32, #tpu.memory_space<vmem_shared>> -> memref<128x128xf32, #tpu.memory_space<vmem_shared>>
      %dma_wait3A_44 = arith.constant 0 : i32
      %dma_wait3A_45 = tpu.memref_slice %arg6[%add3A_17, %dma_wait3A_44] : memref<10240x128xf32, #tpu.memory_space<vmem_shared>> -> memref<128x128xf32, #tpu.memory_space<vmem_shared>>
      tpu.wait_dma2 semaphore(%run_scoped3A : memref<!tpu.dma_semaphore, #tpu.memory_space<semaphore_mem>>) src(%arg5 : memref<128x128xf32, #tpu.memory_space<vmem>>) dst(%dma_wait3A_45 : memref<128x128xf32, #tpu.memory_space<vmem_shared>>)
      tpu.yield
    }) : () -> ()
    %add3A_18 = arith.constant 512 : i32
    %add3A_19 = arith.addi %mul3A_9, %add3A_18 : i32
    "tpu.region"() ({
      %run_scoped3A = tpu.sem_alloc : memref<!tpu.dma_semaphore, #tpu.memory_space<semaphore_mem>>
      %dma_start3A = arith.constant 0 : i32
      %dma_start3A_40 = tpu.memref_slice %arg6[%add3A_19, %dma_start3A] : memref<10240x128xf32, #tpu.memory_space<vmem_shared>> -> memref<128x128xf32, #tpu.memory_space<vmem_shared>>
      %dma_start3A_41 = arith.constant 0 : i32
      %dma_start3A_42 = tpu.memref_slice %arg6[%add3A_19, %dma_start3A_41] : memref<10240x128xf32, #tpu.memory_space<vmem_shared>> -> memref<128x128xf32, #tpu.memory_space<vmem_shared>>
      tpu.enqueue_dma source(%arg5 : memref<128x128xf32, #tpu.memory_space<vmem>>) target(%dma_start3A_42 : memref<128x128xf32, #tpu.memory_space<vmem_shared>>) target_semaphore(%run_scoped3A : memref<!tpu.dma_semaphore, #tpu.memory_space<semaphore_mem>>)
      %dma_wait3A = arith.constant 0 : i32
      %dma_wait3A_43 = tpu.memref_slice %arg6[%add3A_19, %dma_wait3A] : memref<10240x128xf32, #tpu.memory_space<vmem_shared>> -> memref<128x128xf32, #tpu.memory_space<vmem_shared>>
      %dma_wait3A_44 = arith.constant 0 : i32
      %dma_wait3A_45 = tpu.memref_slice %arg6[%add3A_19, %dma_wait3A_44] : memref<10240x128xf32, #tpu.memory_space<vmem_shared>> -> memref<128x128xf32, #tpu.memory_space<vmem_shared>>
      tpu.wait_dma2 semaphore(%run_scoped3A : memref<!tpu.dma_semaphore, #tpu.memory_space<semaphore_mem>>) src(%arg5 : memref<128x128xf32, #tpu.memory_space<vmem>>) dst(%dma_wait3A_45 : memref<128x128xf32, #tpu.memory_space<vmem_shared>>)
      tpu.yield
    }) : () -> ()
    %barrier3A = arith.constant 0 : index
    tpu.barrier barrier_id(%barrier3A)
    %broadcast_in_dim3A_20 = arith.constant 1.000000e+00 : f32
    %broadcast_in_dim3A_21 = vector.broadcast %broadcast_in_dim3A_20 : f32 to vector<16xf32>
    %scan3A_22 = arith.constant 0 : i32
    %scan3A_23 = arith.constant 0 : i32
    %scan3A_24 = arith.constant 128 : i32
    %scan3A_25 = arith.addi %scan3A_23, %scan3A_24 : i32
    %scan3A_26 = arith.constant 1 : i32
    %scan3A_27 = scf.for %scan3A_40 = %scan3A_23 to %scan3A_25 step %scan3A_26 iter_args(%scan3A_41 = %scan3A_22) -> (i32)  : i32 {
      %swap3A = arith.index_cast %scan3A_40 : i32 to index
      %swap3A_42 = arith.constant 0 : index
      %swap3A_43 = tpu.vector_load %arg5[%swap3A, %swap3A_42] {strides = array<i32>} : memref<128x128xf32, #tpu.memory_space<vmem>>, vector<1x16xf32>,
      %swap3A_44 = vector.shape_cast %swap3A_43 : vector<1x16xf32> to vector<16xf32>
      %swap3A_45 = vector.shape_cast %broadcast_in_dim3A_21 : vector<16xf32> to vector<1x16xf32>
      tpu.vector_store %arg5[%swap3A, %swap3A_42], %swap3A_45 {strides = array<i32>} : memref<128x128xf32, #tpu.memory_space<vmem>>, vector<1x16xf32>,
      %swap3A_46 = arith.index_cast %scan3A_40 : i32 to index
      %swap3A_47 = arith.constant 16 : index
      %swap3A_48 = tpu.vector_load %arg5[%swap3A_46, %swap3A_47] {strides = array<i32>} : memref<128x128xf32, #tpu.memory_space<vmem>>, vector<1x16xf32>,
      %swap3A_49 = vector.shape_cast %swap3A_48 : vector<1x16xf32> to vector<16xf32>
      %swap3A_50 = vector.shape_cast %broadcast_in_dim3A_21 : vector<16xf32> to vector<1x16xf32>
      tpu.vector_store %arg5[%swap3A_46, %swap3A_47], %swap3A_50 {strides = array<i32>} : memref<128x128xf32, #tpu.memory_space<vmem>>, vector<1x16xf32>,
      %swap3A_51 = arith.index_cast %scan3A_40 : i32 to index
      %swap3A_52 = arith.constant 32 : index
      %swap3A_53 = tpu.vector_load %arg5[%swap3A_51, %swap3A_52] {strides = array<i32>} : memref<128x128xf32, #tpu.memory_space<vmem>>, vector<1x16xf32>,
      %swap3A_54 = vector.shape_cast %swap3A_53 : vector<1x16xf32> to vector<16xf32>
      %swap3A_55 = vector.shape_cast %broadcast_in_dim3A_21 : vector<16xf32> to vector<1x16xf32>
      tpu.vector_store %arg5[%swap3A_51, %swap3A_52], %swap3A_55 {strides = array<i32>} : memref<128x128xf32, #tpu.memory_space<vmem>>, vector<1x16xf32>,
      %swap3A_56 = arith.index_cast %scan3A_40 : i32 to index
      %swap3A_57 = arith.constant 48 : index
      %swap3A_58 = tpu.vector_load %arg5[%swap3A_56, %swap3A_57] {strides = array<i32>} : memref<128x128xf32, #tpu.memory_space<vmem>>, vector<1x16xf32>,
      %swap3A_59 = vector.shape_cast %swap3A_58 : vector<1x16xf32> to vector<16xf32>
      %swap3A_60 = vector.shape_cast %broadcast_in_dim3A_21 : vector<16xf32> to vector<1x16xf32>
      tpu.vector_store %arg5[%swap3A_56, %swap3A_57], %swap3A_60 {strides = array<i32>} : memref<128x128xf32, #tpu.memory_space<vmem>>, vector<1x16xf32>,
      %swap3A_61 = arith.index_cast %scan3A_40 : i32 to index
      %swap3A_62 = arith.constant 64 : index
      %swap3A_63 = tpu.vector_load %arg5[%swap3A_61, %swap3A_62] {strides = array<i32>} : memref<128x128xf32, #tpu.memory_space<vmem>>, vector<1x16xf32>,
      %swap3A_64 = vector.shape_cast %swap3A_63 : vector<1x16xf32> to vector<16xf32>
      %swap3A_65 = vector.shape_cast %broadcast_in_dim3A_21 : vector<16xf32> to vector<1x16xf32>
      tpu.vector_store %arg5[%swap3A_61, %swap3A_62], %swap3A_65 {strides = array<i32>} : memref<128x128xf32, #tpu.memory_space<vmem>>, vector<1x16xf32>,
      %swap3A_66 = arith.index_cast %scan3A_40 : i32 to index
      %swap3A_67 = arith.constant 80 : index
      %swap3A_68 = tpu.vector_load %arg5[%swap3A_66, %swap3A_67] {strides = array<i32>} : memref<128x128xf32, #tpu.memory_space<vmem>>, vector<1x16xf32>,
      %swap3A_69 = vector.shape_cast %swap3A_68 : vector<1x16xf32> to vector<16xf32>
      %swap3A_70 = vector.shape_cast %broadcast_in_dim3A_21 : vector<16xf32> to vector<1x16xf32>
      tpu.vector_store %arg5[%swap3A_66, %swap3A_67], %swap3A_70 {strides = array<i32>} : memref<128x128xf32, #tpu.memory_space<vmem>>, vector<1x16xf32>,
      %swap3A_71 = arith.index_cast %scan3A_40 : i32 to index
      %swap3A_72 = arith.constant 96 : index
      %swap3A_73 = tpu.vector_load %arg5[%swap3A_71, %swap3A_72] {strides = array<i32>} : memref<128x128xf32, #tpu.memory_space<vmem>>, vector<1x16xf32>,
      %swap3A_74 = vector.shape_cast %swap3A_73 : vector<1x16xf32> to vector<16xf32>
      %swap3A_75 = vector.shape_cast %broadcast_in_dim3A_21 : vector<16xf32> to vector<1x16xf32>
      tpu.vector_store %arg5[%swap3A_71, %swap3A_72], %swap3A_75 {strides = array<i32>} : memref<128x128xf32, #tpu.memory_space<vmem>>, vector<1x16xf32>,
      %swap3A_76 = arith.index_cast %scan3A_40 : i32 to index
      %swap3A_77 = arith.constant 112 : index
      %swap3A_78 = tpu.vector_load %arg5[%swap3A_76, %swap3A_77] {strides = array<i32>} : memref<128x128xf32, #tpu.memory_space<vmem>>, vector<1x16xf32>,
      %swap3A_79 = vector.shape_cast %swap3A_78 : vector<1x16xf32> to vector<16xf32>
      %swap3A_80 = vector.shape_cast %broadcast_in_dim3A_21 : vector<16xf32> to vector<1x16xf32>
      tpu.vector_store %arg5[%swap3A_76, %swap3A_77], %swap3A_80 {strides = array<i32>} : memref<128x128xf32, #tpu.memory_space<vmem>>, vector<1x16xf32>,
      %scan3A_81 = arith.constant 0 : i32
      scf.yield %scan3A_81 : i32
    }
    %scan3A_28 = arith.constant 128 : i32
    "tpu.region"() ({
      %run_scoped3A = tpu.sem_alloc : memref<!tpu.dma_semaphore, #tpu.memory_space<semaphore_mem>>
      %dma_start3A = arith.constant 0 : i32
      %dma_start3A_40 = arith.constant 0 : i32
      %dma_start3A_41 = tpu.memref_slice %arg2[%add3A, %dma_start3A, %dma_start3A_40] : memref<32x40x128xi32, #tpu.memory_space<hbm>> -> memref<1x40x128xi32, #tpu.memory_space<hbm>>
      %dma_start3A_42 = tpu.memref_squeeze %dma_start3A_41 : memref<1x40x128xi32, #tpu.memory_space<hbm>> -> memref<40x128xi32, #tpu.memory_space<hbm>>
      %dma_start3A_43 = arith.constant 0 : i32
      %dma_start3A_44 = arith.constant 0 : i32
      %dma_start3A_45 = tpu.memref_slice %arg2[%add3A, %dma_start3A_43, %dma_start3A_44] : memref<32x40x128xi32, #tpu.memory_space<hbm>> -> memref<1x40x128xi32, #tpu.memory_space<hbm>>
      %dma_start3A_46 = tpu.memref_squeeze %dma_start3A_45 : memref<1x40x128xi32, #tpu.memory_space<hbm>> -> memref<40x128xi32, #tpu.memory_space<hbm>>
      tpu.enqueue_dma source(%dma_start3A_46 : memref<40x128xi32, #tpu.memory_space<hbm>>) target(%arg4 : memref<40x128xi32, #tpu.memory_space<vmem>>) target_semaphore(%run_scoped3A : memref<!tpu.dma_semaphore, #tpu.memory_space<semaphore_mem>>)
      %dma_wait3A = arith.constant 0 : i32
      %dma_wait3A_47 = arith.constant 0 : i32
      %dma_wait3A_48 = tpu.memref_slice %arg2[%add3A, %dma_wait3A, %dma_wait3A_47] : memref<32x40x128xi32, #tpu.memory_space<hbm>> -> memref<1x40x128xi32, #tpu.memory_space<hbm>>
      %dma_wait3A_49 = tpu.memref_squeeze %dma_wait3A_48 : memref<1x40x128xi32, #tpu.memory_space<hbm>> -> memref<40x128xi32, #tpu.memory_space<hbm>>
      %dma_wait3A_50 = arith.constant 0 : i32
      %dma_wait3A_51 = arith.constant 0 : i32
      %dma_wait3A_52 = tpu.memref_slice %arg2[%add3A, %dma_wait3A_50, %dma_wait3A_51] : memref<32x40x128xi32, #tpu.memory_space<hbm>> -> memref<1x40x128xi32, #tpu.memory_space<hbm>>
      %dma_wait3A_53 = tpu.memref_squeeze %dma_wait3A_52 : memref<1x40x128xi32, #tpu.memory_space<hbm>> -> memref<40x128xi32, #tpu.memory_space<hbm>>
      tpu.wait_dma2 semaphore(%run_scoped3A : memref<!tpu.dma_semaphore, #tpu.memory_space<semaphore_mem>>) src(%dma_wait3A_53 : memref<40x128xi32, #tpu.memory_space<hbm>>) dst(%arg4 : memref<40x128xi32, #tpu.memory_space<vmem>>)
      tpu.yield
    }) : () -> ()
    %scan3A_29 = arith.constant 0 : i32
    %scan3A_30 = arith.constant 0 : i32
    %scan3A_31 = arith.constant 40 : i32
    %scan3A_32 = arith.addi %scan3A_30, %scan3A_31 : i32
    %scan3A_33 = arith.constant 1 : i32
    %scan3A_34 = scf.for %scan3A_40 = %scan3A_30 to %scan3A_32 step %scan3A_33 iter_args(%scan3A_41 = %scan3A_29) -> (i32)  : i32 {
      "tpu.region"() ({
        %run_scoped3A = tpu.sem_alloc : memref<!tpu.dma_semaphore, #tpu.memory_space<semaphore_mem>>
        %dma_start3A = arith.constant 0 : i32
        %dma_start3A_43 = tpu.memref_slice %arg4[%scan3A_40, %dma_start3A] : memref<40x128xi32, #tpu.memory_space<vmem>> -> memref<1x128xi32, #tpu.memory_space<vmem>>
        %dma_start3A_44 = tpu.memref_squeeze %dma_start3A_43 : memref<1x128xi32, #tpu.memory_space<vmem>> -> memref<128xi32, #tpu.memory_space<vmem>>
        %dma_start3A_45 = arith.constant 0 : i32
        %dma_start3A_46 = arith.constant 0 : i32
        %dma_start3A_47 = tpu.memref_slice %arg6[%dma_start3A_45, %dma_start3A_46] : memref<10240x128xf32, #tpu.memory_space<vmem_shared>> -> memref<10240x128xf32, #tpu.memory_space<vmem_shared>>
        tpu.enqueue_indirect_dma source(%arg5 : memref<128x128xf32, #tpu.memory_space<vmem>>) target(%dma_start3A_47 : memref<10240x128xf32, #tpu.memory_space<vmem_shared>>) offsets(%dma_start3A_44 : memref<128xi32, #tpu.memory_space<vmem>>) semaphore(%run_scoped3A : memref<!tpu.dma_semaphore, #tpu.memory_space<semaphore_mem>>) {add = true}
        %dma_wait3A = arith.constant 0 : i32
        %dma_wait3A_48 = tpu.memref_slice %arg4[%scan3A_40, %dma_wait3A] : memref<40x128xi32, #tpu.memory_space<vmem>> -> memref<1x128xi32, #tpu.memory_space<vmem>>
        %dma_wait3A_49 = tpu.memref_squeeze %dma_wait3A_48 : memref<1x128xi32, #tpu.memory_space<vmem>> -> memref<128xi32, #tpu.memory_space<vmem>>
        %dma_wait3A_50 = arith.constant 0 : i32
        %dma_wait3A_51 = arith.constant 0 : i32
        %dma_wait3A_52 = tpu.memref_slice %arg6[%dma_wait3A_50, %dma_wait3A_51] : memref<10240x128xf32, #tpu.memory_space<vmem_shared>> -> memref<10240x128xf32, #tpu.memory_space<vmem_shared>>
        tpu.wait_indirect_dma semaphore(%run_scoped3A : memref<!tpu.dma_semaphore, #tpu.memory_space<semaphore_mem>>) src(%arg5 : memref<128x128xf32, #tpu.memory_space<vmem>>) dst(%dma_wait3A_52 : memref<10240x128xf32, #tpu.memory_space<vmem_shared>>)
        tpu.yield
      }) : () -> ()
      %scan3A_42 = arith.constant 0 : i32
      scf.yield %scan3A_42 : i32
    }
    %scan3A_35 = arith.constant 40 : i32
    %barrier3A_36 = arith.constant 0 : index
    tpu.barrier barrier_id(%barrier3A_36)
    %mul3A_37 = arith.constant 10240 : i32
    %mul3A_38 = arith.muli %arg0, %mul3A_37 : i32
    %add3A_39 = arith.addi %mul3A_38, %mul3A_9 : i32
    "tpu.region"() ({
      %run_scoped3A = tpu.sem_alloc : memref<!tpu.dma_semaphore, #tpu.memory_space<semaphore_mem>>
      %dma_start3A = arith.constant 0 : i32
      %dma_start3A_40 = tpu.memref_slice %arg3[%add3A_39, %dma_start3A] : memref<20480x128xf32, #tpu.memory_space<hbm>> -> memref<640x128xf32, #tpu.memory_space<hbm>>
      %dma_start3A_41 = arith.constant 0 : i32
      %dma_start3A_42 = tpu.memref_slice %arg6[%mul3A_9, %dma_start3A_41] : memref<10240x128xf32, #tpu.memory_space<vmem_shared>> -> memref<640x128xf32, #tpu.memory_space<vmem_shared>>
      tpu.enqueue_dma source(%dma_start3A_42 : memref<640x128xf32, #tpu.memory_space<vmem_shared>>) target(%dma_start3A_40 : memref<640x128xf32, #tpu.memory_space<hbm>>) target_semaphore(%run_scoped3A : memref<!tpu.dma_semaphore, #tpu.memory_space<semaphore_mem>>)
      %dma_wait3A = arith.constant 0 : i32
      %dma_wait3A_43 = tpu.memref_slice %arg3[%add3A_39, %dma_wait3A] : memref<20480x128xf32, #tpu.memory_space<hbm>> -> memref<640x128xf32, #tpu.memory_space<hbm>>
      %dma_wait3A_44 = arith.constant 0 : i32
      %dma_wait3A_45 = tpu.memref_slice %arg6[%mul3A_9, %dma_wait3A_44] : memref<10240x128xf32, #tpu.memory_space<vmem_shared>> -> memref<640x128xf32, #tpu.memory_space<vmem_shared>>
      tpu.wait_dma2 semaphore(%run_scoped3A : memref<!tpu.dma_semaphore, #tpu.memory_space<semaphore_mem>>) src(%dma_wait3A_45 : memref<640x128xf32, #tpu.memory_space<vmem_shared>>) dst(%dma_wait3A_43 : memref<640x128xf32, #tpu.memory_space<hbm>>)
      tpu.yield
    }) : () -> ()
    return
  }
}

#map = affine_map<(d0, d1) -> (0, 0)>
#map1 = affine_map<(d0, d1) -> (0, 0, 0)>
module attributes {stable_mosaic.version = 14 : i64} {
  func.func @body_fn(%arg0: i32, %arg1: i32, %arg2: memref<20000x128xf32, #tpu.memory_space<hbm>>, %arg3: memref<32x80x128xi32, #tpu.memory_space<hbm>>, %arg4: memref<32x80x128xi32, #tpu.memory_space<hbm>>, %arg5: memref<20480x128xf32, #tpu.memory_space<hbm>>, %arg6: memref<40x128xi32, #tpu.memory_space<vmem>>, %arg7: memref<40x128xi32, #tpu.memory_space<vmem>>, %arg8: memref<128x128xf32, #tpu.memory_space<vmem>>, %arg9: memref<128x128xf32, #tpu.memory_space<vmem>>, %arg10: memref<!tpu.dma_semaphore, #tpu.memory_space<semaphore_mem>>, %arg11: memref<!tpu.dma_semaphore, #tpu.memory_space<semaphore_mem>>, %arg12: memref<!tpu.dma_semaphore, #tpu.memory_space<semaphore_mem>>, %arg13: memref<!tpu.dma_semaphore, #tpu.memory_space<semaphore_mem>>, %arg14: memref<10240x128xf32, #tpu.memory_space<vmem_shared>>) attributes {dimension_semantics = [#tpu.dimension_semantics<core_parallel>, #tpu.dimension_semantics<subcore_parallel>], iteration_bounds = array<i64: 2, 16>, scalar_prefetch = 0 : i64, scratch_operands = 9 : i64, tpu.core_type = #tpu.core_type<sc_vector_subcore>, window_params = [{transform_indices = #map}, {transform_indices = #map1}, {transform_indices = #map1}, {transform_indices = #map}]} {
    %mul3A = arith.constant 16 : i32
    %mul3A_0 = arith.muli %arg0, %mul3A : i32
    %add3A = arith.addi %mul3A_0, %arg1 : i32
    %broadcast_in_dim3A = arith.constant 0.000000e+00 : f32
    %broadcast_in_dim3A_1 = vector.broadcast %broadcast_in_dim3A : f32 to vector<16xf32>
    %scan3A = arith.constant 0 : i32
    %scan3A_2 = arith.constant 0 : i32
    %scan3A_3 = arith.constant 128 : i32
    %scan3A_4 = arith.addi %scan3A_2, %scan3A_3 : i32
    %scan3A_5 = arith.constant 1 : i32
    %scan3A_6 = scf.for %scan3A_31 = %scan3A_2 to %scan3A_4 step %scan3A_5 iter_args(%scan3A_32 = %scan3A) -> (i32)  : i32 {
      %swap3A = arith.index_cast %scan3A_31 : i32 to index
      %swap3A_33 = arith.constant 0 : index
      %swap3A_34 = tpu.vector_load %arg8[%swap3A, %swap3A_33] {strides = array<i32>} : memref<128x128xf32, #tpu.memory_space<vmem>>, vector<1x16xf32>,
      %swap3A_35 = vector.shape_cast %swap3A_34 : vector<1x16xf32> to vector<16xf32>
      %swap3A_36 = vector.shape_cast %broadcast_in_dim3A_1 : vector<16xf32> to vector<1x16xf32>
      tpu.vector_store %arg8[%swap3A, %swap3A_33], %swap3A_36 {strides = array<i32>} : memref<128x128xf32, #tpu.memory_space<vmem>>, vector<1x16xf32>,
      %swap3A_37 = arith.index_cast %scan3A_31 : i32 to index
      %swap3A_38 = arith.constant 16 : index
      %swap3A_39 = tpu.vector_load %arg8[%swap3A_37, %swap3A_38] {strides = array<i32>} : memref<128x128xf32, #tpu.memory_space<vmem>>, vector<1x16xf32>,
      %swap3A_40 = vector.shape_cast %swap3A_39 : vector<1x16xf32> to vector<16xf32>
      %swap3A_41 = vector.shape_cast %broadcast_in_dim3A_1 : vector<16xf32> to vector<1x16xf32>
      tpu.vector_store %arg8[%swap3A_37, %swap3A_38], %swap3A_41 {strides = array<i32>} : memref<128x128xf32, #tpu.memory_space<vmem>>, vector<1x16xf32>,
      %swap3A_42 = arith.index_cast %scan3A_31 : i32 to index
      %swap3A_43 = arith.constant 32 : index
      %swap3A_44 = tpu.vector_load %arg8[%swap3A_42, %swap3A_43] {strides = array<i32>} : memref<128x128xf32, #tpu.memory_space<vmem>>, vector<1x16xf32>,
      %swap3A_45 = vector.shape_cast %swap3A_44 : vector<1x16xf32> to vector<16xf32>
      %swap3A_46 = vector.shape_cast %broadcast_in_dim3A_1 : vector<16xf32> to vector<1x16xf32>
      tpu.vector_store %arg8[%swap3A_42, %swap3A_43], %swap3A_46 {strides = array<i32>} : memref<128x128xf32, #tpu.memory_space<vmem>>, vector<1x16xf32>,
      %swap3A_47 = arith.index_cast %scan3A_31 : i32 to index
      %swap3A_48 = arith.constant 48 : index
      %swap3A_49 = tpu.vector_load %arg8[%swap3A_47, %swap3A_48] {strides = array<i32>} : memref<128x128xf32, #tpu.memory_space<vmem>>, vector<1x16xf32>,
      %swap3A_50 = vector.shape_cast %swap3A_49 : vector<1x16xf32> to vector<16xf32>
      %swap3A_51 = vector.shape_cast %broadcast_in_dim3A_1 : vector<16xf32> to vector<1x16xf32>
      tpu.vector_store %arg8[%swap3A_47, %swap3A_48], %swap3A_51 {strides = array<i32>} : memref<128x128xf32, #tpu.memory_space<vmem>>, vector<1x16xf32>,
      %swap3A_52 = arith.index_cast %scan3A_31 : i32 to index
      %swap3A_53 = arith.constant 64 : index
      %swap3A_54 = tpu.vector_load %arg8[%swap3A_52, %swap3A_53] {strides = array<i32>} : memref<128x128xf32, #tpu.memory_space<vmem>>, vector<1x16xf32>,
      %swap3A_55 = vector.shape_cast %swap3A_54 : vector<1x16xf32> to vector<16xf32>
      %swap3A_56 = vector.shape_cast %broadcast_in_dim3A_1 : vector<16xf32> to vector<1x16xf32>
      tpu.vector_store %arg8[%swap3A_52, %swap3A_53], %swap3A_56 {strides = array<i32>} : memref<128x128xf32, #tpu.memory_space<vmem>>, vector<1x16xf32>,
      %swap3A_57 = arith.index_cast %scan3A_31 : i32 to index
      %swap3A_58 = arith.constant 80 : index
      %swap3A_59 = tpu.vector_load %arg8[%swap3A_57, %swap3A_58] {strides = array<i32>} : memref<128x128xf32, #tpu.memory_space<vmem>>, vector<1x16xf32>,
      %swap3A_60 = vector.shape_cast %swap3A_59 : vector<1x16xf32> to vector<16xf32>
      %swap3A_61 = vector.shape_cast %broadcast_in_dim3A_1 : vector<16xf32> to vector<1x16xf32>
      tpu.vector_store %arg8[%swap3A_57, %swap3A_58], %swap3A_61 {strides = array<i32>} : memref<128x128xf32, #tpu.memory_space<vmem>>, vector<1x16xf32>,
      %swap3A_62 = arith.index_cast %scan3A_31 : i32 to index
      %swap3A_63 = arith.constant 96 : index
      %swap3A_64 = tpu.vector_load %arg8[%swap3A_62, %swap3A_63] {strides = array<i32>} : memref<128x128xf32, #tpu.memory_space<vmem>>, vector<1x16xf32>,
      %swap3A_65 = vector.shape_cast %swap3A_64 : vector<1x16xf32> to vector<16xf32>
      %swap3A_66 = vector.shape_cast %broadcast_in_dim3A_1 : vector<16xf32> to vector<1x16xf32>
      tpu.vector_store %arg8[%swap3A_62, %swap3A_63], %swap3A_66 {strides = array<i32>} : memref<128x128xf32, #tpu.memory_space<vmem>>, vector<1x16xf32>,
      %swap3A_67 = arith.index_cast %scan3A_31 : i32 to index
      %swap3A_68 = arith.constant 112 : index
      %swap3A_69 = tpu.vector_load %arg8[%swap3A_67, %swap3A_68] {strides = array<i32>} : memref<128x128xf32, #tpu.memory_space<vmem>>, vector<1x16xf32>,
      %swap3A_70 = vector.shape_cast %swap3A_69 : vector<1x16xf32> to vector<16xf32>
      %swap3A_71 = vector.shape_cast %broadcast_in_dim3A_1 : vector<16xf32> to vector<1x16xf32>
      tpu.vector_store %arg8[%swap3A_67, %swap3A_68], %swap3A_71 {strides = array<i32>} : memref<128x128xf32, #tpu.memory_space<vmem>>, vector<1x16xf32>,
      %scan3A_72 = arith.constant 0 : i32
      scf.yield %scan3A_72 : i32
    }
    %scan3A_7 = arith.constant 128 : i32
    %mul3A_8 = arith.constant 640 : i32
    %mul3A_9 = arith.muli %arg1, %mul3A_8 : i32
    %add3A_10 = arith.constant 0 : i32
    %add3A_11 = arith.addi %mul3A_9, %add3A_10 : i32
    "tpu.region"() ({
      %run_scoped3A = tpu.sem_alloc : memref<!tpu.dma_semaphore, #tpu.memory_space<semaphore_mem>>
      %dma_start3A = arith.constant 0 : i32
      %dma_start3A_31 = tpu.memref_slice %arg14[%add3A_11, %dma_start3A] : memref<10240x128xf32, #tpu.memory_space<vmem_shared>> -> memref<128x128xf32, #tpu.memory_space<vmem_shared>>
      %dma_start3A_32 = arith.constant 0 : i32
      %dma_start3A_33 = tpu.memref_slice %arg14[%add3A_11, %dma_start3A_32] : memref<10240x128xf32, #tpu.memory_space<vmem_shared>> -> memref<128x128xf32, #tpu.memory_space<vmem_shared>>
      tpu.enqueue_dma source(%arg8 : memref<128x128xf32, #tpu.memory_space<vmem>>) target(%dma_start3A_33 : memref<128x128xf32, #tpu.memory_space<vmem_shared>>) target_semaphore(%run_scoped3A : memref<!tpu.dma_semaphore, #tpu.memory_space<semaphore_mem>>)
      %dma_wait3A = arith.constant 0 : i32
      %dma_wait3A_34 = tpu.memref_slice %arg14[%add3A_11, %dma_wait3A] : memref<10240x128xf32, #tpu.memory_space<vmem_shared>> -> memref<128x128xf32, #tpu.memory_space<vmem_shared>>
      %dma_wait3A_35 = arith.constant 0 : i32
      %dma_wait3A_36 = tpu.memref_slice %arg14[%add3A_11, %dma_wait3A_35] : memref<10240x128xf32, #tpu.memory_space<vmem_shared>> -> memref<128x128xf32, #tpu.memory_space<vmem_shared>>
      tpu.wait_dma2 semaphore(%run_scoped3A : memref<!tpu.dma_semaphore, #tpu.memory_space<semaphore_mem>>) src(%arg8 : memref<128x128xf32, #tpu.memory_space<vmem>>) dst(%dma_wait3A_36 : memref<128x128xf32, #tpu.memory_space<vmem_shared>>)
      tpu.yield
    }) : () -> ()
    %add3A_12 = arith.constant 128 : i32
    %add3A_13 = arith.addi %mul3A_9, %add3A_12 : i32
    "tpu.region"() ({
      %run_scoped3A = tpu.sem_alloc : memref<!tpu.dma_semaphore, #tpu.memory_space<semaphore_mem>>
      %dma_start3A = arith.constant 0 : i32
      %dma_start3A_31 = tpu.memref_slice %arg14[%add3A_13, %dma_start3A] : memref<10240x128xf32, #tpu.memory_space<vmem_shared>> -> memref<128x128xf32, #tpu.memory_space<vmem_shared>>
      %dma_start3A_32 = arith.constant 0 : i32
      %dma_start3A_33 = tpu.memref_slice %arg14[%add3A_13, %dma_start3A_32] : memref<10240x128xf32, #tpu.memory_space<vmem_shared>> -> memref<128x128xf32, #tpu.memory_space<vmem_shared>>
      tpu.enqueue_dma source(%arg8 : memref<128x128xf32, #tpu.memory_space<vmem>>) target(%dma_start3A_33 : memref<128x128xf32, #tpu.memory_space<vmem_shared>>) target_semaphore(%run_scoped3A : memref<!tpu.dma_semaphore, #tpu.memory_space<semaphore_mem>>)
      %dma_wait3A = arith.constant 0 : i32
      %dma_wait3A_34 = tpu.memref_slice %arg14[%add3A_13, %dma_wait3A] : memref<10240x128xf32, #tpu.memory_space<vmem_shared>> -> memref<128x128xf32, #tpu.memory_space<vmem_shared>>
      %dma_wait3A_35 = arith.constant 0 : i32
      %dma_wait3A_36 = tpu.memref_slice %arg14[%add3A_13, %dma_wait3A_35] : memref<10240x128xf32, #tpu.memory_space<vmem_shared>> -> memref<128x128xf32, #tpu.memory_space<vmem_shared>>
      tpu.wait_dma2 semaphore(%run_scoped3A : memref<!tpu.dma_semaphore, #tpu.memory_space<semaphore_mem>>) src(%arg8 : memref<128x128xf32, #tpu.memory_space<vmem>>) dst(%dma_wait3A_36 : memref<128x128xf32, #tpu.memory_space<vmem_shared>>)
      tpu.yield
    }) : () -> ()
    %add3A_14 = arith.constant 256 : i32
    %add3A_15 = arith.addi %mul3A_9, %add3A_14 : i32
    "tpu.region"() ({
      %run_scoped3A = tpu.sem_alloc : memref<!tpu.dma_semaphore, #tpu.memory_space<semaphore_mem>>
      %dma_start3A = arith.constant 0 : i32
      %dma_start3A_31 = tpu.memref_slice %arg14[%add3A_15, %dma_start3A] : memref<10240x128xf32, #tpu.memory_space<vmem_shared>> -> memref<128x128xf32, #tpu.memory_space<vmem_shared>>
      %dma_start3A_32 = arith.constant 0 : i32
      %dma_start3A_33 = tpu.memref_slice %arg14[%add3A_15, %dma_start3A_32] : memref<10240x128xf32, #tpu.memory_space<vmem_shared>> -> memref<128x128xf32, #tpu.memory_space<vmem_shared>>
      tpu.enqueue_dma source(%arg8 : memref<128x128xf32, #tpu.memory_space<vmem>>) target(%dma_start3A_33 : memref<128x128xf32, #tpu.memory_space<vmem_shared>>) target_semaphore(%run_scoped3A : memref<!tpu.dma_semaphore, #tpu.memory_space<semaphore_mem>>)
      %dma_wait3A = arith.constant 0 : i32
      %dma_wait3A_34 = tpu.memref_slice %arg14[%add3A_15, %dma_wait3A] : memref<10240x128xf32, #tpu.memory_space<vmem_shared>> -> memref<128x128xf32, #tpu.memory_space<vmem_shared>>
      %dma_wait3A_35 = arith.constant 0 : i32
      %dma_wait3A_36 = tpu.memref_slice %arg14[%add3A_15, %dma_wait3A_35] : memref<10240x128xf32, #tpu.memory_space<vmem_shared>> -> memref<128x128xf32, #tpu.memory_space<vmem_shared>>
      tpu.wait_dma2 semaphore(%run_scoped3A : memref<!tpu.dma_semaphore, #tpu.memory_space<semaphore_mem>>) src(%arg8 : memref<128x128xf32, #tpu.memory_space<vmem>>) dst(%dma_wait3A_36 : memref<128x128xf32, #tpu.memory_space<vmem_shared>>)
      tpu.yield
    }) : () -> ()
    %add3A_16 = arith.constant 384 : i32
    %add3A_17 = arith.addi %mul3A_9, %add3A_16 : i32
    "tpu.region"() ({
      %run_scoped3A = tpu.sem_alloc : memref<!tpu.dma_semaphore, #tpu.memory_space<semaphore_mem>>
      %dma_start3A = arith.constant 0 : i32
      %dma_start3A_31 = tpu.memref_slice %arg14[%add3A_17, %dma_start3A] : memref<10240x128xf32, #tpu.memory_space<vmem_shared>> -> memref<128x128xf32, #tpu.memory_space<vmem_shared>>
      %dma_start3A_32 = arith.constant 0 : i32
      %dma_start3A_33 = tpu.memref_slice %arg14[%add3A_17, %dma_start3A_32] : memref<10240x128xf32, #tpu.memory_space<vmem_shared>> -> memref<128x128xf32, #tpu.memory_space<vmem_shared>>
      tpu.enqueue_dma source(%arg8 : memref<128x128xf32, #tpu.memory_space<vmem>>) target(%dma_start3A_33 : memref<128x128xf32, #tpu.memory_space<vmem_shared>>) target_semaphore(%run_scoped3A : memref<!tpu.dma_semaphore, #tpu.memory_space<semaphore_mem>>)
      %dma_wait3A = arith.constant 0 : i32
      %dma_wait3A_34 = tpu.memref_slice %arg14[%add3A_17, %dma_wait3A] : memref<10240x128xf32, #tpu.memory_space<vmem_shared>> -> memref<128x128xf32, #tpu.memory_space<vmem_shared>>
      %dma_wait3A_35 = arith.constant 0 : i32
      %dma_wait3A_36 = tpu.memref_slice %arg14[%add3A_17, %dma_wait3A_35] : memref<10240x128xf32, #tpu.memory_space<vmem_shared>> -> memref<128x128xf32, #tpu.memory_space<vmem_shared>>
      tpu.wait_dma2 semaphore(%run_scoped3A : memref<!tpu.dma_semaphore, #tpu.memory_space<semaphore_mem>>) src(%arg8 : memref<128x128xf32, #tpu.memory_space<vmem>>) dst(%dma_wait3A_36 : memref<128x128xf32, #tpu.memory_space<vmem_shared>>)
      tpu.yield
    }) : () -> ()
    %add3A_18 = arith.constant 512 : i32
    %add3A_19 = arith.addi %mul3A_9, %add3A_18 : i32
    "tpu.region"() ({
      %run_scoped3A = tpu.sem_alloc : memref<!tpu.dma_semaphore, #tpu.memory_space<semaphore_mem>>
      %dma_start3A = arith.constant 0 : i32
      %dma_start3A_31 = tpu.memref_slice %arg14[%add3A_19, %dma_start3A] : memref<10240x128xf32, #tpu.memory_space<vmem_shared>> -> memref<128x128xf32, #tpu.memory_space<vmem_shared>>
      %dma_start3A_32 = arith.constant 0 : i32
      %dma_start3A_33 = tpu.memref_slice %arg14[%add3A_19, %dma_start3A_32] : memref<10240x128xf32, #tpu.memory_space<vmem_shared>> -> memref<128x128xf32, #tpu.memory_space<vmem_shared>>
      tpu.enqueue_dma source(%arg8 : memref<128x128xf32, #tpu.memory_space<vmem>>) target(%dma_start3A_33 : memref<128x128xf32, #tpu.memory_space<vmem_shared>>) target_semaphore(%run_scoped3A : memref<!tpu.dma_semaphore, #tpu.memory_space<semaphore_mem>>)
      %dma_wait3A = arith.constant 0 : i32
      %dma_wait3A_34 = tpu.memref_slice %arg14[%add3A_19, %dma_wait3A] : memref<10240x128xf32, #tpu.memory_space<vmem_shared>> -> memref<128x128xf32, #tpu.memory_space<vmem_shared>>
      %dma_wait3A_35 = arith.constant 0 : i32
      %dma_wait3A_36 = tpu.memref_slice %arg14[%add3A_19, %dma_wait3A_35] : memref<10240x128xf32, #tpu.memory_space<vmem_shared>> -> memref<128x128xf32, #tpu.memory_space<vmem_shared>>
      tpu.wait_dma2 semaphore(%run_scoped3A : memref<!tpu.dma_semaphore, #tpu.memory_space<semaphore_mem>>) src(%arg8 : memref<128x128xf32, #tpu.memory_space<vmem>>) dst(%dma_wait3A_36 : memref<128x128xf32, #tpu.memory_space<vmem_shared>>)
      tpu.yield
    }) : () -> ()
    %barrier3A = arith.constant 0 : index
    tpu.barrier barrier_id(%barrier3A)
    %scan3A_20 = arith.constant 0 : i32
    %scan3A_21 = arith.constant 0 : i32
    %scan3A_22 = arith.constant 2 : i32
    %scan3A_23 = arith.addi %scan3A_21, %scan3A_22 : i32
    %scan3A_24 = arith.constant 1 : i32
    %scan3A_25 = scf.for %scan3A_31 = %scan3A_21 to %scan3A_23 step %scan3A_24 iter_args(%scan3A_32 = %scan3A_20) -> (i32)  : i32 {
      %mul3A_33 = arith.constant 40 : i32
      %mul3A_34 = arith.muli %scan3A_31, %mul3A_33 : i32
      "tpu.region"() ({
        %run_scoped3A = tpu.sem_alloc : memref<!tpu.dma_semaphore, #tpu.memory_space<semaphore_mem>>
        %dma_start3A_147 = arith.constant 0 : i32
        %dma_start3A_148 = tpu.memref_slice %arg3[%add3A, %mul3A_34, %dma_start3A_147] : memref<32x80x128xi32, #tpu.memory_space<hbm>> -> memref<1x40x128xi32, #tpu.memory_space<hbm>>
        %dma_start3A_149 = tpu.memref_squeeze %dma_start3A_148 : memref<1x40x128xi32, #tpu.memory_space<hbm>> -> memref<40x128xi32, #tpu.memory_space<hbm>>
        %dma_start3A_150 = arith.constant 0 : i32
        %dma_start3A_151 = tpu.memref_slice %arg3[%add3A, %mul3A_34, %dma_start3A_150] : memref<32x80x128xi32, #tpu.memory_space<hbm>> -> memref<1x40x128xi32, #tpu.memory_space<hbm>>
        %dma_start3A_152 = tpu.memref_squeeze %dma_start3A_151 : memref<1x40x128xi32, #tpu.memory_space<hbm>> -> memref<40x128xi32, #tpu.memory_space<hbm>>
        tpu.enqueue_dma source(%dma_start3A_152 : memref<40x128xi32, #tpu.memory_space<hbm>>) target(%arg6 : memref<40x128xi32, #tpu.memory_space<vmem>>) target_semaphore(%run_scoped3A : memref<!tpu.dma_semaphore, #tpu.memory_space<semaphore_mem>>)
        %dma_wait3A_153 = arith.constant 0 : i32
        %dma_wait3A_154 = tpu.memref_slice %arg3[%add3A, %mul3A_34, %dma_wait3A_153] : memref<32x80x128xi32, #tpu.memory_space<hbm>> -> memref<1x40x128xi32, #tpu.memory_space<hbm>>
        %dma_wait3A_155 = tpu.memref_squeeze %dma_wait3A_154 : memref<1x40x128xi32, #tpu.memory_space<hbm>> -> memref<40x128xi32, #tpu.memory_space<hbm>>
        %dma_wait3A_156 = arith.constant 0 : i32
        %dma_wait3A_157 = tpu.memref_slice %arg3[%add3A, %mul3A_34, %dma_wait3A_156] : memref<32x80x128xi32, #tpu.memory_space<hbm>> -> memref<1x40x128xi32, #tpu.memory_space<hbm>>
        %dma_wait3A_158 = tpu.memref_squeeze %dma_wait3A_157 : memref<1x40x128xi32, #tpu.memory_space<hbm>> -> memref<40x128xi32, #tpu.memory_space<hbm>>
        tpu.wait_dma2 semaphore(%run_scoped3A : memref<!tpu.dma_semaphore, #tpu.memory_space<semaphore_mem>>) src(%dma_wait3A_158 : memref<40x128xi32, #tpu.memory_space<hbm>>) dst(%arg6 : memref<40x128xi32, #tpu.memory_space<vmem>>)
        tpu.yield
      }) : () -> ()
      %mul3A_35 = arith.constant 40 : i32
      %mul3A_36 = arith.muli %scan3A_31, %mul3A_35 : i32
      "tpu.region"() ({
        %run_scoped3A = tpu.sem_alloc : memref<!tpu.dma_semaphore, #tpu.memory_space<semaphore_mem>>
        %dma_start3A_147 = arith.constant 0 : i32
        %dma_start3A_148 = tpu.memref_slice %arg4[%add3A, %mul3A_36, %dma_start3A_147] : memref<32x80x128xi32, #tpu.memory_space<hbm>> -> memref<1x40x128xi32, #tpu.memory_space<hbm>>
        %dma_start3A_149 = tpu.memref_squeeze %dma_start3A_148 : memref<1x40x128xi32, #tpu.memory_space<hbm>> -> memref<40x128xi32, #tpu.memory_space<hbm>>
        %dma_start3A_150 = arith.constant 0 : i32
        %dma_start3A_151 = tpu.memref_slice %arg4[%add3A, %mul3A_36, %dma_start3A_150] : memref<32x80x128xi32, #tpu.memory_space<hbm>> -> memref<1x40x128xi32, #tpu.memory_space<hbm>>
        %dma_start3A_152 = tpu.memref_squeeze %dma_start3A_151 : memref<1x40x128xi32, #tpu.memory_space<hbm>> -> memref<40x128xi32, #tpu.memory_space<hbm>>
        tpu.enqueue_dma source(%dma_start3A_152 : memref<40x128xi32, #tpu.memory_space<hbm>>) target(%arg7 : memref<40x128xi32, #tpu.memory_space<vmem>>) target_semaphore(%run_scoped3A : memref<!tpu.dma_semaphore, #tpu.memory_space<semaphore_mem>>)
        %dma_wait3A_153 = arith.constant 0 : i32
        %dma_wait3A_154 = tpu.memref_slice %arg4[%add3A, %mul3A_36, %dma_wait3A_153] : memref<32x80x128xi32, #tpu.memory_space<hbm>> -> memref<1x40x128xi32, #tpu.memory_space<hbm>>
        %dma_wait3A_155 = tpu.memref_squeeze %dma_wait3A_154 : memref<1x40x128xi32, #tpu.memory_space<hbm>> -> memref<40x128xi32, #tpu.memory_space<hbm>>
        %dma_wait3A_156 = arith.constant 0 : i32
        %dma_wait3A_157 = tpu.memref_slice %arg4[%add3A, %mul3A_36, %dma_wait3A_156] : memref<32x80x128xi32, #tpu.memory_space<hbm>> -> memref<1x40x128xi32, #tpu.memory_space<hbm>>
        %dma_wait3A_158 = tpu.memref_squeeze %dma_wait3A_157 : memref<1x40x128xi32, #tpu.memory_space<hbm>> -> memref<40x128xi32, #tpu.memory_space<hbm>>
        tpu.wait_dma2 semaphore(%run_scoped3A : memref<!tpu.dma_semaphore, #tpu.memory_space<semaphore_mem>>) src(%dma_wait3A_158 : memref<40x128xi32, #tpu.memory_space<hbm>>) dst(%arg7 : memref<40x128xi32, #tpu.memory_space<vmem>>)
        tpu.yield
      }) : () -> ()
      %dma_start3A = arith.constant 0 : i32
      %dma_start3A_37 = arith.constant 0 : i32
      %dma_start3A_38 = tpu.memref_slice %arg6[%dma_start3A, %dma_start3A_37] : memref<40x128xi32, #tpu.memory_space<vmem>> -> memref<1x128xi32, #tpu.memory_space<vmem>>
      %dma_start3A_39 = tpu.memref_squeeze %dma_start3A_38 : memref<1x128xi32, #tpu.memory_space<vmem>> -> memref<128xi32, #tpu.memory_space<vmem>>
      %dma_start3A_40 = arith.constant 0 : i32
      %dma_start3A_41 = arith.constant 0 : i32
      %dma_start3A_42 = tpu.memref_slice %arg2[%dma_start3A_40, %dma_start3A_41] : memref<20000x128xf32, #tpu.memory_space<hbm>> -> memref<20000x128xf32, #tpu.memory_space<hbm>>
      tpu.enqueue_indirect_dma source(%dma_start3A_42 : memref<20000x128xf32, #tpu.memory_space<hbm>>) target(%arg8 : memref<128x128xf32, #tpu.memory_space<vmem>>) offsets(%dma_start3A_39 : memref<128xi32, #tpu.memory_space<vmem>>) semaphore(%arg10 : memref<!tpu.dma_semaphore, #tpu.memory_space<semaphore_mem>>)
      %dma_wait3A = arith.constant 0 : i32
      %dma_wait3A_43 = arith.constant 0 : i32
      %dma_wait3A_44 = tpu.memref_slice %arg2[%dma_wait3A, %dma_wait3A_43] : memref<20000x128xf32, #tpu.memory_space<hbm>> -> memref<128x128xf32, #tpu.memory_space<hbm>>
      %dma_wait3A_45 = arith.constant 0 : i32
      %dma_wait3A_46 = arith.constant 0 : i32
      %dma_wait3A_47 = tpu.memref_slice %arg2[%dma_wait3A_45, %dma_wait3A_46] : memref<20000x128xf32, #tpu.memory_space<hbm>> -> memref<128x128xf32, #tpu.memory_space<hbm>>
      tpu.wait_dma2 semaphore(%arg10 : memref<!tpu.dma_semaphore, #tpu.memory_space<semaphore_mem>>) src(%dma_wait3A_47 : memref<128x128xf32, #tpu.memory_space<hbm>>) dst(%arg8 : memref<128x128xf32, #tpu.memory_space<vmem>>)
      %dma_start3A_48 = arith.constant 0 : i32
      %dma_start3A_49 = arith.constant 0 : i32
      %dma_start3A_50 = tpu.memref_slice %arg7[%dma_start3A_48, %dma_start3A_49] : memref<40x128xi32, #tpu.memory_space<vmem>> -> memref<1x128xi32, #tpu.memory_space<vmem>>
      %dma_start3A_51 = tpu.memref_squeeze %dma_start3A_50 : memref<1x128xi32, #tpu.memory_space<vmem>> -> memref<128xi32, #tpu.memory_space<vmem>>
      %dma_start3A_52 = arith.constant 0 : i32
      %dma_start3A_53 = arith.constant 0 : i32
      %dma_start3A_54 = tpu.memref_slice %arg14[%dma_start3A_52, %dma_start3A_53] : memref<10240x128xf32, #tpu.memory_space<vmem_shared>> -> memref<10240x128xf32, #tpu.memory_space<vmem_shared>>
      tpu.enqueue_indirect_dma source(%arg8 : memref<128x128xf32, #tpu.memory_space<vmem>>) target(%dma_start3A_54 : memref<10240x128xf32, #tpu.memory_space<vmem_shared>>) offsets(%dma_start3A_51 : memref<128xi32, #tpu.memory_space<vmem>>) semaphore(%arg12 : memref<!tpu.dma_semaphore, #tpu.memory_space<semaphore_mem>>) {add = true}
      %dma_start3A_55 = arith.constant 1 : i32
      %dma_start3A_56 = arith.constant 0 : i32
      %dma_start3A_57 = tpu.memref_slice %arg6[%dma_start3A_55, %dma_start3A_56] : memref<40x128xi32, #tpu.memory_space<vmem>> -> memref<1x128xi32, #tpu.memory_space<vmem>>
      %dma_start3A_58 = tpu.memref_squeeze %dma_start3A_57 : memref<1x128xi32, #tpu.memory_space<vmem>> -> memref<128xi32, #tpu.memory_space<vmem>>
      %dma_start3A_59 = arith.constant 0 : i32
      %dma_start3A_60 = arith.constant 0 : i32
      %dma_start3A_61 = tpu.memref_slice %arg2[%dma_start3A_59, %dma_start3A_60] : memref<20000x128xf32, #tpu.memory_space<hbm>> -> memref<20000x128xf32, #tpu.memory_space<hbm>>
      tpu.enqueue_indirect_dma source(%dma_start3A_61 : memref<20000x128xf32, #tpu.memory_space<hbm>>) target(%arg9 : memref<128x128xf32, #tpu.memory_space<vmem>>) offsets(%dma_start3A_58 : memref<128xi32, #tpu.memory_space<vmem>>) semaphore(%arg11 : memref<!tpu.dma_semaphore, #tpu.memory_space<semaphore_mem>>)
      %dma_wait3A_62 = arith.constant 0 : i32
      %dma_wait3A_63 = arith.constant 0 : i32
      %dma_wait3A_64 = tpu.memref_slice %arg2[%dma_wait3A_62, %dma_wait3A_63] : memref<20000x128xf32, #tpu.memory_space<hbm>> -> memref<128x128xf32, #tpu.memory_space<hbm>>
      %dma_wait3A_65 = arith.constant 0 : i32
      %dma_wait3A_66 = arith.constant 0 : i32
      %dma_wait3A_67 = tpu.memref_slice %arg2[%dma_wait3A_65, %dma_wait3A_66] : memref<20000x128xf32, #tpu.memory_space<hbm>> -> memref<128x128xf32, #tpu.memory_space<hbm>>
      tpu.wait_dma2 semaphore(%arg11 : memref<!tpu.dma_semaphore, #tpu.memory_space<semaphore_mem>>) src(%dma_wait3A_67 : memref<128x128xf32, #tpu.memory_space<hbm>>) dst(%arg9 : memref<128x128xf32, #tpu.memory_space<vmem>>)
      %dma_start3A_68 = arith.constant 1 : i32
      %dma_start3A_69 = arith.constant 0 : i32
      %dma_start3A_70 = tpu.memref_slice %arg7[%dma_start3A_68, %dma_start3A_69] : memref<40x128xi32, #tpu.memory_space<vmem>> -> memref<1x128xi32, #tpu.memory_space<vmem>>
      %dma_start3A_71 = tpu.memref_squeeze %dma_start3A_70 : memref<1x128xi32, #tpu.memory_space<vmem>> -> memref<128xi32, #tpu.memory_space<vmem>>
      %dma_start3A_72 = arith.constant 0 : i32
      %dma_start3A_73 = arith.constant 0 : i32
      %dma_start3A_74 = tpu.memref_slice %arg14[%dma_start3A_72, %dma_start3A_73] : memref<10240x128xf32, #tpu.memory_space<vmem_shared>> -> memref<10240x128xf32, #tpu.memory_space<vmem_shared>>
      tpu.enqueue_indirect_dma source(%arg9 : memref<128x128xf32, #tpu.memory_space<vmem>>) target(%dma_start3A_74 : memref<10240x128xf32, #tpu.memory_space<vmem_shared>>) offsets(%dma_start3A_71 : memref<128xi32, #tpu.memory_space<vmem>>) semaphore(%arg13 : memref<!tpu.dma_semaphore, #tpu.memory_space<semaphore_mem>>) {add = true}
      %dma_wait3A_75 = arith.constant 0 : i32
      %dma_wait3A_76 = arith.constant 0 : i32
      %dma_wait3A_77 = tpu.memref_slice %arg14[%dma_wait3A_75, %dma_wait3A_76] : memref<10240x128xf32, #tpu.memory_space<vmem_shared>> -> memref<128x128xf32, #tpu.memory_space<vmem_shared>>
      %dma_wait3A_78 = arith.constant 0 : i32
      %dma_wait3A_79 = arith.constant 0 : i32
      %dma_wait3A_80 = tpu.memref_slice %arg14[%dma_wait3A_78, %dma_wait3A_79] : memref<10240x128xf32, #tpu.memory_space<vmem_shared>> -> memref<128x128xf32, #tpu.memory_space<vmem_shared>>
      tpu.wait_dma2 semaphore(%arg12 : memref<!tpu.dma_semaphore, #tpu.memory_space<semaphore_mem>>) src(%arg8 : memref<128x128xf32, #tpu.memory_space<vmem>>) dst(%dma_wait3A_80 : memref<128x128xf32, #tpu.memory_space<vmem_shared>>)
      %dma_start3A_81 = arith.constant 2 : i32
      %dma_start3A_82 = arith.constant 0 : i32
      %dma_start3A_83 = tpu.memref_slice %arg6[%dma_start3A_81, %dma_start3A_82] : memref<40x128xi32, #tpu.memory_space<vmem>> -> memref<1x128xi32, #tpu.memory_space<vmem>>
      %dma_start3A_84 = tpu.memref_squeeze %dma_start3A_83 : memref<1x128xi32, #tpu.memory_space<vmem>> -> memref<128xi32, #tpu.memory_space<vmem>>
      %dma_start3A_85 = arith.constant 0 : i32
      %dma_start3A_86 = arith.constant 0 : i32
      %dma_start3A_87 = tpu.memref_slice %arg2[%dma_start3A_85, %dma_start3A_86] : memref<20000x128xf32, #tpu.memory_space<hbm>> -> memref<20000x128xf32, #tpu.memory_space<hbm>>
      tpu.enqueue_indirect_dma source(%dma_start3A_87 : memref<20000x128xf32, #tpu.memory_space<hbm>>) target(%arg8 : memref<128x128xf32, #tpu.memory_space<vmem>>) offsets(%dma_start3A_84 : memref<128xi32, #tpu.memory_space<vmem>>) semaphore(%arg10 : memref<!tpu.dma_semaphore, #tpu.memory_space<semaphore_mem>>)
      %scan3A_88 = arith.constant 0 : i32
      %scan3A_89 = arith.constant 1 : i32
      %scan3A_90 = arith.constant 18 : i32
      %scan3A_91 = arith.addi %scan3A_89, %scan3A_90 : i32
      %scan3A_92 = arith.constant 1 : i32
      %scan3A_93 = scf.for %scan3A_147 = %scan3A_89 to %scan3A_91 step %scan3A_92 iter_args(%scan3A_148 = %scan3A_88) -> (i32)  : i32 {
        %mul3A_149 = arith.constant 2 : i32
        %mul3A_150 = arith.muli %mul3A_149, %scan3A_147 : i32
        %dma_wait3A_151 = arith.constant 0 : i32
        %dma_wait3A_152 = arith.constant 0 : i32
        %dma_wait3A_153 = tpu.memref_slice %arg2[%dma_wait3A_151, %dma_wait3A_152] : memref<20000x128xf32, #tpu.memory_space<hbm>> -> memref<128x128xf32, #tpu.memory_space<hbm>>
        %dma_wait3A_154 = arith.constant 0 : i32
        %dma_wait3A_155 = arith.constant 0 : i32
        %dma_wait3A_156 = tpu.memref_slice %arg2[%dma_wait3A_154, %dma_wait3A_155] : memref<20000x128xf32, #tpu.memory_space<hbm>> -> memref<128x128xf32, #tpu.memory_space<hbm>>
        tpu.wait_dma2 semaphore(%arg10 : memref<!tpu.dma_semaphore, #tpu.memory_space<semaphore_mem>>) src(%dma_wait3A_156 : memref<128x128xf32, #tpu.memory_space<hbm>>) dst(%arg8 : memref<128x128xf32, #tpu.memory_space<vmem>>)
        %dma_start3A_157 = arith.constant 0 : i32
        %dma_start3A_158 = tpu.memref_slice %arg7[%mul3A_150, %dma_start3A_157] : memref<40x128xi32, #tpu.memory_space<vmem>> -> memref<1x128xi32, #tpu.memory_space<vmem>>
        %dma_start3A_159 = tpu.memref_squeeze %dma_start3A_158 : memref<1x128xi32, #tpu.memory_space<vmem>> -> memref<128xi32, #tpu.memory_space<vmem>>
        %dma_start3A_160 = arith.constant 0 : i32
        %dma_start3A_161 = arith.constant 0 : i32
        %dma_start3A_162 = tpu.memref_slice %arg14[%dma_start3A_160, %dma_start3A_161] : memref<10240x128xf32, #tpu.memory_space<vmem_shared>> -> memref<10240x128xf32, #tpu.memory_space<vmem_shared>>
        tpu.enqueue_indirect_dma source(%arg8 : memref<128x128xf32, #tpu.memory_space<vmem>>) target(%dma_start3A_162 : memref<10240x128xf32, #tpu.memory_space<vmem_shared>>) offsets(%dma_start3A_159 : memref<128xi32, #tpu.memory_space<vmem>>) semaphore(%arg12 : memref<!tpu.dma_semaphore, #tpu.memory_space<semaphore_mem>>) {add = true}
        %dma_wait3A_163 = arith.constant 0 : i32
        %dma_wait3A_164 = arith.constant 0 : i32
        %dma_wait3A_165 = tpu.memref_slice %arg14[%dma_wait3A_163, %dma_wait3A_164] : memref<10240x128xf32, #tpu.memory_space<vmem_shared>> -> memref<128x128xf32, #tpu.memory_space<vmem_shared>>
        %dma_wait3A_166 = arith.constant 0 : i32
        %dma_wait3A_167 = arith.constant 0 : i32
        %dma_wait3A_168 = tpu.memref_slice %arg14[%dma_wait3A_166, %dma_wait3A_167] : memref<10240x128xf32, #tpu.memory_space<vmem_shared>> -> memref<128x128xf32, #tpu.memory_space<vmem_shared>>
        tpu.wait_dma2 semaphore(%arg13 : memref<!tpu.dma_semaphore, #tpu.memory_space<semaphore_mem>>) src(%arg9 : memref<128x128xf32, #tpu.memory_space<vmem>>) dst(%dma_wait3A_168 : memref<128x128xf32, #tpu.memory_space<vmem_shared>>)
        %add3A_169 = arith.constant 1 : i32
        %add3A_170 = arith.addi %mul3A_150, %add3A_169 : i32
        %dma_start3A_171 = arith.constant 0 : i32
        %dma_start3A_172 = tpu.memref_slice %arg6[%add3A_170, %dma_start3A_171] : memref<40x128xi32, #tpu.memory_space<vmem>> -> memref<1x128xi32, #tpu.memory_space<vmem>>
        %dma_start3A_173 = tpu.memref_squeeze %dma_start3A_172 : memref<1x128xi32, #tpu.memory_space<vmem>> -> memref<128xi32, #tpu.memory_space<vmem>>
        %dma_start3A_174 = arith.constant 0 : i32
        %dma_start3A_175 = arith.constant 0 : i32
        %dma_start3A_176 = tpu.memref_slice %arg2[%dma_start3A_174, %dma_start3A_175] : memref<20000x128xf32, #tpu.memory_space<hbm>> -> memref<20000x128xf32, #tpu.memory_space<hbm>>
        tpu.enqueue_indirect_dma source(%dma_start3A_176 : memref<20000x128xf32, #tpu.memory_space<hbm>>) target(%arg9 : memref<128x128xf32, #tpu.memory_space<vmem>>) offsets(%dma_start3A_173 : memref<128xi32, #tpu.memory_space<vmem>>) semaphore(%arg11 : memref<!tpu.dma_semaphore, #tpu.memory_space<semaphore_mem>>)
        %mul3A_177 = arith.constant 2 : i32
        %mul3A_178 = arith.muli %mul3A_177, %scan3A_147 : i32
        %add3A_179 = arith.constant 1 : i32
        %add3A_180 = arith.addi %mul3A_178, %add3A_179 : i32
        %dma_wait3A_181 = arith.constant 0 : i32
        %dma_wait3A_182 = arith.constant 0 : i32
        %dma_wait3A_183 = tpu.memref_slice %arg2[%dma_wait3A_181, %dma_wait3A_182] : memref<20000x128xf32, #tpu.memory_space<hbm>> -> memref<128x128xf32, #tpu.memory_space<hbm>>
        %dma_wait3A_184 = arith.constant 0 : i32
        %dma_wait3A_185 = arith.constant 0 : i32
        %dma_wait3A_186 = tpu.memref_slice %arg2[%dma_wait3A_184, %dma_wait3A_185] : memref<20000x128xf32, #tpu.memory_space<hbm>> -> memref<128x128xf32, #tpu.memory_space<hbm>>
        tpu.wait_dma2 semaphore(%arg11 : memref<!tpu.dma_semaphore, #tpu.memory_space<semaphore_mem>>) src(%dma_wait3A_186 : memref<128x128xf32, #tpu.memory_space<hbm>>) dst(%arg9 : memref<128x128xf32, #tpu.memory_space<vmem>>)
        %dma_start3A_187 = arith.constant 0 : i32
        %dma_start3A_188 = tpu.memref_slice %arg7[%add3A_180, %dma_start3A_187] : memref<40x128xi32, #tpu.memory_space<vmem>> -> memref<1x128xi32, #tpu.memory_space<vmem>>
        %dma_start3A_189 = tpu.memref_squeeze %dma_start3A_188 : memref<1x128xi32, #tpu.memory_space<vmem>> -> memref<128xi32, #tpu.memory_space<vmem>>
        %dma_start3A_190 = arith.constant 0 : i32
        %dma_start3A_191 = arith.constant 0 : i32
        %dma_start3A_192 = tpu.memref_slice %arg14[%dma_start3A_190, %dma_start3A_191] : memref<10240x128xf32, #tpu.memory_space<vmem_shared>> -> memref<10240x128xf32, #tpu.memory_space<vmem_shared>>
        tpu.enqueue_indirect_dma source(%arg9 : memref<128x128xf32, #tpu.memory_space<vmem>>) target(%dma_start3A_192 : memref<10240x128xf32, #tpu.memory_space<vmem_shared>>) offsets(%dma_start3A_189 : memref<128xi32, #tpu.memory_space<vmem>>) semaphore(%arg13 : memref<!tpu.dma_semaphore, #tpu.memory_space<semaphore_mem>>) {add = true}
        %dma_wait3A_193 = arith.constant 0 : i32
        %dma_wait3A_194 = arith.constant 0 : i32
        %dma_wait3A_195 = tpu.memref_slice %arg14[%dma_wait3A_193, %dma_wait3A_194] : memref<10240x128xf32, #tpu.memory_space<vmem_shared>> -> memref<128x128xf32, #tpu.memory_space<vmem_shared>>
        %dma_wait3A_196 = arith.constant 0 : i32
        %dma_wait3A_197 = arith.constant 0 : i32
        %dma_wait3A_198 = tpu.memref_slice %arg14[%dma_wait3A_196, %dma_wait3A_197] : memref<10240x128xf32, #tpu.memory_space<vmem_shared>> -> memref<128x128xf32, #tpu.memory_space<vmem_shared>>
        tpu.wait_dma2 semaphore(%arg12 : memref<!tpu.dma_semaphore, #tpu.memory_space<semaphore_mem>>) src(%arg8 : memref<128x128xf32, #tpu.memory_space<vmem>>) dst(%dma_wait3A_198 : memref<128x128xf32, #tpu.memory_space<vmem_shared>>)
        %add3A_199 = arith.constant 1 : i32
        %add3A_200 = arith.addi %add3A_180, %add3A_199 : i32
        %dma_start3A_201 = arith.constant 0 : i32
        %dma_start3A_202 = tpu.memref_slice %arg6[%add3A_200, %dma_start3A_201] : memref<40x128xi32, #tpu.memory_space<vmem>> -> memref<1x128xi32, #tpu.memory_space<vmem>>
        %dma_start3A_203 = tpu.memref_squeeze %dma_start3A_202 : memref<1x128xi32, #tpu.memory_space<vmem>> -> memref<128xi32, #tpu.memory_space<vmem>>
        %dma_start3A_204 = arith.constant 0 : i32
        %dma_start3A_205 = arith.constant 0 : i32
        %dma_start3A_206 = tpu.memref_slice %arg2[%dma_start3A_204, %dma_start3A_205] : memref<20000x128xf32, #tpu.memory_space<hbm>> -> memref<20000x128xf32, #tpu.memory_space<hbm>>
        tpu.enqueue_indirect_dma source(%dma_start3A_206 : memref<20000x128xf32, #tpu.memory_space<hbm>>) target(%arg8 : memref<128x128xf32, #tpu.memory_space<vmem>>) offsets(%dma_start3A_203 : memref<128xi32, #tpu.memory_space<vmem>>) semaphore(%arg10 : memref<!tpu.dma_semaphore, #tpu.memory_space<semaphore_mem>>)
        %scan3A_207 = arith.constant 0 : i32
        scf.yield %scan3A_207 : i32
      }
      %scan3A_94 = arith.constant 18 : i32
      %dma_wait3A_95 = arith.constant 0 : i32
      %dma_wait3A_96 = arith.constant 0 : i32
      %dma_wait3A_97 = tpu.memref_slice %arg2[%dma_wait3A_95, %dma_wait3A_96] : memref<20000x128xf32, #tpu.memory_space<hbm>> -> memref<128x128xf32, #tpu.memory_space<hbm>>
      %dma_wait3A_98 = arith.constant 0 : i32
      %dma_wait3A_99 = arith.constant 0 : i32
      %dma_wait3A_100 = tpu.memref_slice %arg2[%dma_wait3A_98, %dma_wait3A_99] : memref<20000x128xf32, #tpu.memory_space<hbm>> -> memref<128x128xf32, #tpu.memory_space<hbm>>
      tpu.wait_dma2 semaphore(%arg10 : memref<!tpu.dma_semaphore, #tpu.memory_space<semaphore_mem>>) src(%dma_wait3A_100 : memref<128x128xf32, #tpu.memory_space<hbm>>) dst(%arg8 : memref<128x128xf32, #tpu.memory_space<vmem>>)
      %dma_start3A_101 = arith.constant 38 : i32
      %dma_start3A_102 = arith.constant 0 : i32
      %dma_start3A_103 = tpu.memref_slice %arg7[%dma_start3A_101, %dma_start3A_102] : memref<40x128xi32, #tpu.memory_space<vmem>> -> memref<1x128xi32, #tpu.memory_space<vmem>>
      %dma_start3A_104 = tpu.memref_squeeze %dma_start3A_103 : memref<1x128xi32, #tpu.memory_space<vmem>> -> memref<128xi32, #tpu.memory_space<vmem>>
      %dma_start3A_105 = arith.constant 0 : i32
      %dma_start3A_106 = arith.constant 0 : i32
      %dma_start3A_107 = tpu.memref_slice %arg14[%dma_start3A_105, %dma_start3A_106] : memref<10240x128xf32, #tpu.memory_space<vmem_shared>> -> memref<10240x128xf32, #tpu.memory_space<vmem_shared>>
      tpu.enqueue_indirect_dma source(%arg8 : memref<128x128xf32, #tpu.memory_space<vmem>>) target(%dma_start3A_107 : memref<10240x128xf32, #tpu.memory_space<vmem_shared>>) offsets(%dma_start3A_104 : memref<128xi32, #tpu.memory_space<vmem>>) semaphore(%arg12 : memref<!tpu.dma_semaphore, #tpu.memory_space<semaphore_mem>>) {add = true}
      %dma_wait3A_108 = arith.constant 0 : i32
      %dma_wait3A_109 = arith.constant 0 : i32
      %dma_wait3A_110 = tpu.memref_slice %arg14[%dma_wait3A_108, %dma_wait3A_109] : memref<10240x128xf32, #tpu.memory_space<vmem_shared>> -> memref<128x128xf32, #tpu.memory_space<vmem_shared>>
      %dma_wait3A_111 = arith.constant 0 : i32
      %dma_wait3A_112 = arith.constant 0 : i32
      %dma_wait3A_113 = tpu.memref_slice %arg14[%dma_wait3A_111, %dma_wait3A_112] : memref<10240x128xf32, #tpu.memory_space<vmem_shared>> -> memref<128x128xf32, #tpu.memory_space<vmem_shared>>
      tpu.wait_dma2 semaphore(%arg13 : memref<!tpu.dma_semaphore, #tpu.memory_space<semaphore_mem>>) src(%arg9 : memref<128x128xf32, #tpu.memory_space<vmem>>) dst(%dma_wait3A_113 : memref<128x128xf32, #tpu.memory_space<vmem_shared>>)
      %dma_start3A_114 = arith.constant 39 : i32
      %dma_start3A_115 = arith.constant 0 : i32
      %dma_start3A_116 = tpu.memref_slice %arg6[%dma_start3A_114, %dma_start3A_115] : memref<40x128xi32, #tpu.memory_space<vmem>> -> memref<1x128xi32, #tpu.memory_space<vmem>>
      %dma_start3A_117 = tpu.memref_squeeze %dma_start3A_116 : memref<1x128xi32, #tpu.memory_space<vmem>> -> memref<128xi32, #tpu.memory_space<vmem>>
      %dma_start3A_118 = arith.constant 0 : i32
      %dma_start3A_119 = arith.constant 0 : i32
      %dma_start3A_120 = tpu.memref_slice %arg2[%dma_start3A_118, %dma_start3A_119] : memref<20000x128xf32, #tpu.memory_space<hbm>> -> memref<20000x128xf32, #tpu.memory_space<hbm>>
      tpu.enqueue_indirect_dma source(%dma_start3A_120 : memref<20000x128xf32, #tpu.memory_space<hbm>>) target(%arg9 : memref<128x128xf32, #tpu.memory_space<vmem>>) offsets(%dma_start3A_117 : memref<128xi32, #tpu.memory_space<vmem>>) semaphore(%arg11 : memref<!tpu.dma_semaphore, #tpu.memory_space<semaphore_mem>>)
      %dma_wait3A_121 = arith.constant 0 : i32
      %dma_wait3A_122 = arith.constant 0 : i32
      %dma_wait3A_123 = tpu.memref_slice %arg2[%dma_wait3A_121, %dma_wait3A_122] : memref<20000x128xf32, #tpu.memory_space<hbm>> -> memref<128x128xf32, #tpu.memory_space<hbm>>
      %dma_wait3A_124 = arith.constant 0 : i32
      %dma_wait3A_125 = arith.constant 0 : i32
      %dma_wait3A_126 = tpu.memref_slice %arg2[%dma_wait3A_124, %dma_wait3A_125] : memref<20000x128xf32, #tpu.memory_space<hbm>> -> memref<128x128xf32, #tpu.memory_space<hbm>>
      tpu.wait_dma2 semaphore(%arg11 : memref<!tpu.dma_semaphore, #tpu.memory_space<semaphore_mem>>) src(%dma_wait3A_126 : memref<128x128xf32, #tpu.memory_space<hbm>>) dst(%arg9 : memref<128x128xf32, #tpu.memory_space<vmem>>)
      %dma_start3A_127 = arith.constant 39 : i32
      %dma_start3A_128 = arith.constant 0 : i32
      %dma_start3A_129 = tpu.memref_slice %arg7[%dma_start3A_127, %dma_start3A_128] : memref<40x128xi32, #tpu.memory_space<vmem>> -> memref<1x128xi32, #tpu.memory_space<vmem>>
      %dma_start3A_130 = tpu.memref_squeeze %dma_start3A_129 : memref<1x128xi32, #tpu.memory_space<vmem>> -> memref<128xi32, #tpu.memory_space<vmem>>
      %dma_start3A_131 = arith.constant 0 : i32
      %dma_start3A_132 = arith.constant 0 : i32
      %dma_start3A_133 = tpu.memref_slice %arg14[%dma_start3A_131, %dma_start3A_132] : memref<10240x128xf32, #tpu.memory_space<vmem_shared>> -> memref<10240x128xf32, #tpu.memory_space<vmem_shared>>
      tpu.enqueue_indirect_dma source(%arg9 : memref<128x128xf32, #tpu.memory_space<vmem>>) target(%dma_start3A_133 : memref<10240x128xf32, #tpu.memory_space<vmem_shared>>) offsets(%dma_start3A_130 : memref<128xi32, #tpu.memory_space<vmem>>) semaphore(%arg13 : memref<!tpu.dma_semaphore, #tpu.memory_space<semaphore_mem>>) {add = true}
      %dma_wait3A_134 = arith.constant 0 : i32
      %dma_wait3A_135 = arith.constant 0 : i32
      %dma_wait3A_136 = tpu.memref_slice %arg14[%dma_wait3A_134, %dma_wait3A_135] : memref<10240x128xf32, #tpu.memory_space<vmem_shared>> -> memref<128x128xf32, #tpu.memory_space<vmem_shared>>
      %dma_wait3A_137 = arith.constant 0 : i32
      %dma_wait3A_138 = arith.constant 0 : i32
      %dma_wait3A_139 = tpu.memref_slice %arg14[%dma_wait3A_137, %dma_wait3A_138] : memref<10240x128xf32, #tpu.memory_space<vmem_shared>> -> memref<128x128xf32, #tpu.memory_space<vmem_shared>>
      tpu.wait_dma2 semaphore(%arg12 : memref<!tpu.dma_semaphore, #tpu.memory_space<semaphore_mem>>) src(%arg8 : memref<128x128xf32, #tpu.memory_space<vmem>>) dst(%dma_wait3A_139 : memref<128x128xf32, #tpu.memory_space<vmem_shared>>)
      %dma_wait3A_140 = arith.constant 0 : i32
      %dma_wait3A_141 = arith.constant 0 : i32
      %dma_wait3A_142 = tpu.memref_slice %arg14[%dma_wait3A_140, %dma_wait3A_141] : memref<10240x128xf32, #tpu.memory_space<vmem_shared>> -> memref<128x128xf32, #tpu.memory_space<vmem_shared>>
      %dma_wait3A_143 = arith.constant 0 : i32
      %dma_wait3A_144 = arith.constant 0 : i32
      %dma_wait3A_145 = tpu.memref_slice %arg14[%dma_wait3A_143, %dma_wait3A_144] : memref<10240x128xf32, #tpu.memory_space<vmem_shared>> -> memref<128x128xf32, #tpu.memory_space<vmem_shared>>
      tpu.wait_dma2 semaphore(%arg13 : memref<!tpu.dma_semaphore, #tpu.memory_space<semaphore_mem>>) src(%arg9 : memref<128x128xf32, #tpu.memory_space<vmem>>) dst(%dma_wait3A_145 : memref<128x128xf32, #tpu.memory_space<vmem_shared>>)
      %scan3A_146 = arith.constant 0 : i32
      scf.yield %scan3A_146 : i32
    }
    %scan3A_26 = arith.constant 2 : i32
    %barrier3A_27 = arith.constant 0 : index
    tpu.barrier barrier_id(%barrier3A_27)
    %mul3A_28 = arith.constant 10240 : i32
    %mul3A_29 = arith.muli %arg0, %mul3A_28 : i32
    %add3A_30 = arith.addi %mul3A_29, %mul3A_9 : i32
    "tpu.region"() ({
      %run_scoped3A = tpu.sem_alloc : memref<!tpu.dma_semaphore, #tpu.memory_space<semaphore_mem>>
      %dma_start3A = arith.constant 0 : i32
      %dma_start3A_31 = tpu.memref_slice %arg5[%add3A_30, %dma_start3A] : memref<20480x128xf32, #tpu.memory_space<hbm>> -> memref<640x128xf32, #tpu.memory_space<hbm>>
      %dma_start3A_32 = arith.constant 0 : i32
      %dma_start3A_33 = tpu.memref_slice %arg14[%mul3A_9, %dma_start3A_32] : memref<10240x128xf32, #tpu.memory_space<vmem_shared>> -> memref<640x128xf32, #tpu.memory_space<vmem_shared>>
      tpu.enqueue_dma source(%dma_start3A_33 : memref<640x128xf32, #tpu.memory_space<vmem_shared>>) target(%dma_start3A_31 : memref<640x128xf32, #tpu.memory_space<hbm>>) target_semaphore(%run_scoped3A : memref<!tpu.dma_semaphore, #tpu.memory_space<semaphore_mem>>)
      %dma_wait3A = arith.constant 0 : i32
      %dma_wait3A_34 = tpu.memref_slice %arg5[%add3A_30, %dma_wait3A] : memref<20480x128xf32, #tpu.memory_space<hbm>> -> memref<640x128xf32, #tpu.memory_space<hbm>>
      %dma_wait3A_35 = arith.constant 0 : i32
      %dma_wait3A_36 = tpu.memref_slice %arg14[%mul3A_9, %dma_wait3A_35] : memref<10240x128xf32, #tpu.memory_space<vmem_shared>> -> memref<640x128xf32, #tpu.memory_space<vmem_shared>>
      tpu.wait_dma2 semaphore(%run_scoped3A : memref<!tpu.dma_semaphore, #tpu.memory_space<semaphore_mem>>) src(%dma_wait3A_36 : memref<640x128xf32, #tpu.memory_space<vmem_shared>>) dst(%dma_wait3A_34 : memref<640x128xf32, #tpu.memory_space<hbm>>)
      tpu.yield
    }) : () -> ()
    return
  }
}

#map = affine_map<(d0, d1) -> (0, 0)>
#map1 = affine_map<(d0, d1) -> (0, 0, 0)>
module attributes {stable_mosaic.version = 14 : i64} {
  func.func @body_fn(%arg0: i32, %arg1: i32, %arg2: memref<10000x128xf32, #tpu.memory_space<hbm>>, %arg3: memref<32x40x128xi32, #tpu.memory_space<hbm>>, %arg4: memref<32x40x128xi32, #tpu.memory_space<hbm>>, %arg5: memref<20480x128xf32, #tpu.memory_space<hbm>>, %arg6: memref<40x128xi32, #tpu.memory_space<vmem>>, %arg7: memref<40x128xi32, #tpu.memory_space<vmem>>, %arg8: memref<128x128xf32, #tpu.memory_space<vmem>>, %arg9: memref<128x128xf32, #tpu.memory_space<vmem>>, %arg10: memref<!tpu.dma_semaphore, #tpu.memory_space<semaphore_mem>>, %arg11: memref<!tpu.dma_semaphore, #tpu.memory_space<semaphore_mem>>, %arg12: memref<!tpu.dma_semaphore, #tpu.memory_space<semaphore_mem>>, %arg13: memref<!tpu.dma_semaphore, #tpu.memory_space<semaphore_mem>>, %arg14: memref<10240x128xf32, #tpu.memory_space<vmem_shared>>) attributes {dimension_semantics = [#tpu.dimension_semantics<core_parallel>, #tpu.dimension_semantics<subcore_parallel>], iteration_bounds = array<i64: 2, 16>, scalar_prefetch = 0 : i64, scratch_operands = 9 : i64, tpu.core_type = #tpu.core_type<sc_vector_subcore>, window_params = [{transform_indices = #map}, {transform_indices = #map1}, {transform_indices = #map1}, {transform_indices = #map}]} {
    %mul3A = arith.constant 16 : i32
    %mul3A_0 = arith.muli %arg0, %mul3A : i32
    %add3A = arith.addi %mul3A_0, %arg1 : i32
    %broadcast_in_dim3A = arith.constant 0.000000e+00 : f32
    %broadcast_in_dim3A_1 = vector.broadcast %broadcast_in_dim3A : f32 to vector<16xf32>
    %scan3A = arith.constant 0 : i32
    %scan3A_2 = arith.constant 0 : i32
    %scan3A_3 = arith.constant 128 : i32
    %scan3A_4 = arith.addi %scan3A_2, %scan3A_3 : i32
    %scan3A_5 = arith.constant 1 : i32
    %scan3A_6 = scf.for %scan3A_141 = %scan3A_2 to %scan3A_4 step %scan3A_5 iter_args(%scan3A_142 = %scan3A) -> (i32)  : i32 {
      %swap3A = arith.index_cast %scan3A_141 : i32 to index
      %swap3A_143 = arith.constant 0 : index
      %swap3A_144 = tpu.vector_load %arg8[%swap3A, %swap3A_143] {strides = array<i32>} : memref<128x128xf32, #tpu.memory_space<vmem>>, vector<1x16xf32>,
      %swap3A_145 = vector.shape_cast %swap3A_144 : vector<1x16xf32> to vector<16xf32>
      %swap3A_146 = vector.shape_cast %broadcast_in_dim3A_1 : vector<16xf32> to vector<1x16xf32>
      tpu.vector_store %arg8[%swap3A, %swap3A_143], %swap3A_146 {strides = array<i32>} : memref<128x128xf32, #tpu.memory_space<vmem>>, vector<1x16xf32>,
      %swap3A_147 = arith.index_cast %scan3A_141 : i32 to index
      %swap3A_148 = arith.constant 16 : index
      %swap3A_149 = tpu.vector_load %arg8[%swap3A_147, %swap3A_148] {strides = array<i32>} : memref<128x128xf32, #tpu.memory_space<vmem>>, vector<1x16xf32>,
      %swap3A_150 = vector.shape_cast %swap3A_149 : vector<1x16xf32> to vector<16xf32>
      %swap3A_151 = vector.shape_cast %broadcast_in_dim3A_1 : vector<16xf32> to vector<1x16xf32>
      tpu.vector_store %arg8[%swap3A_147, %swap3A_148], %swap3A_151 {strides = array<i32>} : memref<128x128xf32, #tpu.memory_space<vmem>>, vector<1x16xf32>,
      %swap3A_152 = arith.index_cast %scan3A_141 : i32 to index
      %swap3A_153 = arith.constant 32 : index
      %swap3A_154 = tpu.vector_load %arg8[%swap3A_152, %swap3A_153] {strides = array<i32>} : memref<128x128xf32, #tpu.memory_space<vmem>>, vector<1x16xf32>,
      %swap3A_155 = vector.shape_cast %swap3A_154 : vector<1x16xf32> to vector<16xf32>
      %swap3A_156 = vector.shape_cast %broadcast_in_dim3A_1 : vector<16xf32> to vector<1x16xf32>
      tpu.vector_store %arg8[%swap3A_152, %swap3A_153], %swap3A_156 {strides = array<i32>} : memref<128x128xf32, #tpu.memory_space<vmem>>, vector<1x16xf32>,
      %swap3A_157 = arith.index_cast %scan3A_141 : i32 to index
      %swap3A_158 = arith.constant 48 : index
      %swap3A_159 = tpu.vector_load %arg8[%swap3A_157, %swap3A_158] {strides = array<i32>} : memref<128x128xf32, #tpu.memory_space<vmem>>, vector<1x16xf32>,
      %swap3A_160 = vector.shape_cast %swap3A_159 : vector<1x16xf32> to vector<16xf32>
      %swap3A_161 = vector.shape_cast %broadcast_in_dim3A_1 : vector<16xf32> to vector<1x16xf32>
      tpu.vector_store %arg8[%swap3A_157, %swap3A_158], %swap3A_161 {strides = array<i32>} : memref<128x128xf32, #tpu.memory_space<vmem>>, vector<1x16xf32>,
      %swap3A_162 = arith.index_cast %scan3A_141 : i32 to index
      %swap3A_163 = arith.constant 64 : index
      %swap3A_164 = tpu.vector_load %arg8[%swap3A_162, %swap3A_163] {strides = array<i32>} : memref<128x128xf32, #tpu.memory_space<vmem>>, vector<1x16xf32>,
      %swap3A_165 = vector.shape_cast %swap3A_164 : vector<1x16xf32> to vector<16xf32>
      %swap3A_166 = vector.shape_cast %broadcast_in_dim3A_1 : vector<16xf32> to vector<1x16xf32>
      tpu.vector_store %arg8[%swap3A_162, %swap3A_163], %swap3A_166 {strides = array<i32>} : memref<128x128xf32, #tpu.memory_space<vmem>>, vector<1x16xf32>,
      %swap3A_167 = arith.index_cast %scan3A_141 : i32 to index
      %swap3A_168 = arith.constant 80 : index
      %swap3A_169 = tpu.vector_load %arg8[%swap3A_167, %swap3A_168] {strides = array<i32>} : memref<128x128xf32, #tpu.memory_space<vmem>>, vector<1x16xf32>,
      %swap3A_170 = vector.shape_cast %swap3A_169 : vector<1x16xf32> to vector<16xf32>
      %swap3A_171 = vector.shape_cast %broadcast_in_dim3A_1 : vector<16xf32> to vector<1x16xf32>
      tpu.vector_store %arg8[%swap3A_167, %swap3A_168], %swap3A_171 {strides = array<i32>} : memref<128x128xf32, #tpu.memory_space<vmem>>, vector<1x16xf32>,
      %swap3A_172 = arith.index_cast %scan3A_141 : i32 to index
      %swap3A_173 = arith.constant 96 : index
      %swap3A_174 = tpu.vector_load %arg8[%swap3A_172, %swap3A_173] {strides = array<i32>} : memref<128x128xf32, #tpu.memory_space<vmem>>, vector<1x16xf32>,
      %swap3A_175 = vector.shape_cast %swap3A_174 : vector<1x16xf32> to vector<16xf32>
      %swap3A_176 = vector.shape_cast %broadcast_in_dim3A_1 : vector<16xf32> to vector<1x16xf32>
      tpu.vector_store %arg8[%swap3A_172, %swap3A_173], %swap3A_176 {strides = array<i32>} : memref<128x128xf32, #tpu.memory_space<vmem>>, vector<1x16xf32>,
      %swap3A_177 = arith.index_cast %scan3A_141 : i32 to index
      %swap3A_178 = arith.constant 112 : index
      %swap3A_179 = tpu.vector_load %arg8[%swap3A_177, %swap3A_178] {strides = array<i32>} : memref<128x128xf32, #tpu.memory_space<vmem>>, vector<1x16xf32>,
      %swap3A_180 = vector.shape_cast %swap3A_179 : vector<1x16xf32> to vector<16xf32>
      %swap3A_181 = vector.shape_cast %broadcast_in_dim3A_1 : vector<16xf32> to vector<1x16xf32>
      tpu.vector_store %arg8[%swap3A_177, %swap3A_178], %swap3A_181 {strides = array<i32>} : memref<128x128xf32, #tpu.memory_space<vmem>>, vector<1x16xf32>,
      %scan3A_182 = arith.constant 0 : i32
      scf.yield %scan3A_182 : i32
    }
    %scan3A_7 = arith.constant 128 : i32
    %mul3A_8 = arith.constant 640 : i32
    %mul3A_9 = arith.muli %arg1, %mul3A_8 : i32
    %add3A_10 = arith.constant 0 : i32
    %add3A_11 = arith.addi %mul3A_9, %add3A_10 : i32
    "tpu.region"() ({
      %run_scoped3A = tpu.sem_alloc : memref<!tpu.dma_semaphore, #tpu.memory_space<semaphore_mem>>
      %dma_start3A_141 = arith.constant 0 : i32
      %dma_start3A_142 = tpu.memref_slice %arg14[%add3A_11, %dma_start3A_141] : memref<10240x128xf32, #tpu.memory_space<vmem_shared>> -> memref<128x128xf32, #tpu.memory_space<vmem_shared>>
      %dma_start3A_143 = arith.constant 0 : i32
      %dma_start3A_144 = tpu.memref_slice %arg14[%add3A_11, %dma_start3A_143] : memref<10240x128xf32, #tpu.memory_space<vmem_shared>> -> memref<128x128xf32, #tpu.memory_space<vmem_shared>>
      tpu.enqueue_dma source(%arg8 : memref<128x128xf32, #tpu.memory_space<vmem>>) target(%dma_start3A_144 : memref<128x128xf32, #tpu.memory_space<vmem_shared>>) target_semaphore(%run_scoped3A : memref<!tpu.dma_semaphore, #tpu.memory_space<semaphore_mem>>)
      %dma_wait3A_145 = arith.constant 0 : i32
      %dma_wait3A_146 = tpu.memref_slice %arg14[%add3A_11, %dma_wait3A_145] : memref<10240x128xf32, #tpu.memory_space<vmem_shared>> -> memref<128x128xf32, #tpu.memory_space<vmem_shared>>
      %dma_wait3A_147 = arith.constant 0 : i32
      %dma_wait3A_148 = tpu.memref_slice %arg14[%add3A_11, %dma_wait3A_147] : memref<10240x128xf32, #tpu.memory_space<vmem_shared>> -> memref<128x128xf32, #tpu.memory_space<vmem_shared>>
      tpu.wait_dma2 semaphore(%run_scoped3A : memref<!tpu.dma_semaphore, #tpu.memory_space<semaphore_mem>>) src(%arg8 : memref<128x128xf32, #tpu.memory_space<vmem>>) dst(%dma_wait3A_148 : memref<128x128xf32, #tpu.memory_space<vmem_shared>>)
      tpu.yield
    }) : () -> ()
    %add3A_12 = arith.constant 128 : i32
    %add3A_13 = arith.addi %mul3A_9, %add3A_12 : i32
    "tpu.region"() ({
      %run_scoped3A = tpu.sem_alloc : memref<!tpu.dma_semaphore, #tpu.memory_space<semaphore_mem>>
      %dma_start3A_141 = arith.constant 0 : i32
      %dma_start3A_142 = tpu.memref_slice %arg14[%add3A_13, %dma_start3A_141] : memref<10240x128xf32, #tpu.memory_space<vmem_shared>> -> memref<128x128xf32, #tpu.memory_space<vmem_shared>>
      %dma_start3A_143 = arith.constant 0 : i32
      %dma_start3A_144 = tpu.memref_slice %arg14[%add3A_13, %dma_start3A_143] : memref<10240x128xf32, #tpu.memory_space<vmem_shared>> -> memref<128x128xf32, #tpu.memory_space<vmem_shared>>
      tpu.enqueue_dma source(%arg8 : memref<128x128xf32, #tpu.memory_space<vmem>>) target(%dma_start3A_144 : memref<128x128xf32, #tpu.memory_space<vmem_shared>>) target_semaphore(%run_scoped3A : memref<!tpu.dma_semaphore, #tpu.memory_space<semaphore_mem>>)
      %dma_wait3A_145 = arith.constant 0 : i32
      %dma_wait3A_146 = tpu.memref_slice %arg14[%add3A_13, %dma_wait3A_145] : memref<10240x128xf32, #tpu.memory_space<vmem_shared>> -> memref<128x128xf32, #tpu.memory_space<vmem_shared>>
      %dma_wait3A_147 = arith.constant 0 : i32
      %dma_wait3A_148 = tpu.memref_slice %arg14[%add3A_13, %dma_wait3A_147] : memref<10240x128xf32, #tpu.memory_space<vmem_shared>> -> memref<128x128xf32, #tpu.memory_space<vmem_shared>>
      tpu.wait_dma2 semaphore(%run_scoped3A : memref<!tpu.dma_semaphore, #tpu.memory_space<semaphore_mem>>) src(%arg8 : memref<128x128xf32, #tpu.memory_space<vmem>>) dst(%dma_wait3A_148 : memref<128x128xf32, #tpu.memory_space<vmem_shared>>)
      tpu.yield
    }) : () -> ()
    %add3A_14 = arith.constant 256 : i32
    %add3A_15 = arith.addi %mul3A_9, %add3A_14 : i32
    "tpu.region"() ({
      %run_scoped3A = tpu.sem_alloc : memref<!tpu.dma_semaphore, #tpu.memory_space<semaphore_mem>>
      %dma_start3A_141 = arith.constant 0 : i32
      %dma_start3A_142 = tpu.memref_slice %arg14[%add3A_15, %dma_start3A_141] : memref<10240x128xf32, #tpu.memory_space<vmem_shared>> -> memref<128x128xf32, #tpu.memory_space<vmem_shared>>
      %dma_start3A_143 = arith.constant 0 : i32
      %dma_start3A_144 = tpu.memref_slice %arg14[%add3A_15, %dma_start3A_143] : memref<10240x128xf32, #tpu.memory_space<vmem_shared>> -> memref<128x128xf32, #tpu.memory_space<vmem_shared>>
      tpu.enqueue_dma source(%arg8 : memref<128x128xf32, #tpu.memory_space<vmem>>) target(%dma_start3A_144 : memref<128x128xf32, #tpu.memory_space<vmem_shared>>) target_semaphore(%run_scoped3A : memref<!tpu.dma_semaphore, #tpu.memory_space<semaphore_mem>>)
      %dma_wait3A_145 = arith.constant 0 : i32
      %dma_wait3A_146 = tpu.memref_slice %arg14[%add3A_15, %dma_wait3A_145] : memref<10240x128xf32, #tpu.memory_space<vmem_shared>> -> memref<128x128xf32, #tpu.memory_space<vmem_shared>>
      %dma_wait3A_147 = arith.constant 0 : i32
      %dma_wait3A_148 = tpu.memref_slice %arg14[%add3A_15, %dma_wait3A_147] : memref<10240x128xf32, #tpu.memory_space<vmem_shared>> -> memref<128x128xf32, #tpu.memory_space<vmem_shared>>
      tpu.wait_dma2 semaphore(%run_scoped3A : memref<!tpu.dma_semaphore, #tpu.memory_space<semaphore_mem>>) src(%arg8 : memref<128x128xf32, #tpu.memory_space<vmem>>) dst(%dma_wait3A_148 : memref<128x128xf32, #tpu.memory_space<vmem_shared>>)
      tpu.yield
    }) : () -> ()
    %add3A_16 = arith.constant 384 : i32
    %add3A_17 = arith.addi %mul3A_9, %add3A_16 : i32
    "tpu.region"() ({
      %run_scoped3A = tpu.sem_alloc : memref<!tpu.dma_semaphore, #tpu.memory_space<semaphore_mem>>
      %dma_start3A_141 = arith.constant 0 : i32
      %dma_start3A_142 = tpu.memref_slice %arg14[%add3A_17, %dma_start3A_141] : memref<10240x128xf32, #tpu.memory_space<vmem_shared>> -> memref<128x128xf32, #tpu.memory_space<vmem_shared>>
      %dma_start3A_143 = arith.constant 0 : i32
      %dma_start3A_144 = tpu.memref_slice %arg14[%add3A_17, %dma_start3A_143] : memref<10240x128xf32, #tpu.memory_space<vmem_shared>> -> memref<128x128xf32, #tpu.memory_space<vmem_shared>>
      tpu.enqueue_dma source(%arg8 : memref<128x128xf32, #tpu.memory_space<vmem>>) target(%dma_start3A_144 : memref<128x128xf32, #tpu.memory_space<vmem_shared>>) target_semaphore(%run_scoped3A : memref<!tpu.dma_semaphore, #tpu.memory_space<semaphore_mem>>)
      %dma_wait3A_145 = arith.constant 0 : i32
      %dma_wait3A_146 = tpu.memref_slice %arg14[%add3A_17, %dma_wait3A_145] : memref<10240x128xf32, #tpu.memory_space<vmem_shared>> -> memref<128x128xf32, #tpu.memory_space<vmem_shared>>
      %dma_wait3A_147 = arith.constant 0 : i32
      %dma_wait3A_148 = tpu.memref_slice %arg14[%add3A_17, %dma_wait3A_147] : memref<10240x128xf32, #tpu.memory_space<vmem_shared>> -> memref<128x128xf32, #tpu.memory_space<vmem_shared>>
      tpu.wait_dma2 semaphore(%run_scoped3A : memref<!tpu.dma_semaphore, #tpu.memory_space<semaphore_mem>>) src(%arg8 : memref<128x128xf32, #tpu.memory_space<vmem>>) dst(%dma_wait3A_148 : memref<128x128xf32, #tpu.memory_space<vmem_shared>>)
      tpu.yield
    }) : () -> ()
    %add3A_18 = arith.constant 512 : i32
    %add3A_19 = arith.addi %mul3A_9, %add3A_18 : i32
    "tpu.region"() ({
      %run_scoped3A = tpu.sem_alloc : memref<!tpu.dma_semaphore, #tpu.memory_space<semaphore_mem>>
      %dma_start3A_141 = arith.constant 0 : i32
      %dma_start3A_142 = tpu.memref_slice %arg14[%add3A_19, %dma_start3A_141] : memref<10240x128xf32, #tpu.memory_space<vmem_shared>> -> memref<128x128xf32, #tpu.memory_space<vmem_shared>>
      %dma_start3A_143 = arith.constant 0 : i32
      %dma_start3A_144 = tpu.memref_slice %arg14[%add3A_19, %dma_start3A_143] : memref<10240x128xf32, #tpu.memory_space<vmem_shared>> -> memref<128x128xf32, #tpu.memory_space<vmem_shared>>
      tpu.enqueue_dma source(%arg8 : memref<128x128xf32, #tpu.memory_space<vmem>>) target(%dma_start3A_144 : memref<128x128xf32, #tpu.memory_space<vmem_shared>>) target_semaphore(%run_scoped3A : memref<!tpu.dma_semaphore, #tpu.memory_space<semaphore_mem>>)
      %dma_wait3A_145 = arith.constant 0 : i32
      %dma_wait3A_146 = tpu.memref_slice %arg14[%add3A_19, %dma_wait3A_145] : memref<10240x128xf32, #tpu.memory_space<vmem_shared>> -> memref<128x128xf32, #tpu.memory_space<vmem_shared>>
      %dma_wait3A_147 = arith.constant 0 : i32
      %dma_wait3A_148 = tpu.memref_slice %arg14[%add3A_19, %dma_wait3A_147] : memref<10240x128xf32, #tpu.memory_space<vmem_shared>> -> memref<128x128xf32, #tpu.memory_space<vmem_shared>>
      tpu.wait_dma2 semaphore(%run_scoped3A : memref<!tpu.dma_semaphore, #tpu.memory_space<semaphore_mem>>) src(%arg8 : memref<128x128xf32, #tpu.memory_space<vmem>>) dst(%dma_wait3A_148 : memref<128x128xf32, #tpu.memory_space<vmem_shared>>)
      tpu.yield
    }) : () -> ()
    %barrier3A = arith.constant 0 : index
    tpu.barrier barrier_id(%barrier3A)
    %scan3A_20 = arith.constant 0 : i32
    %scan3A_21 = arith.constant 0 : i32
    %mul3A_22 = arith.constant 40 : i32
    %mul3A_23 = arith.muli %scan3A_21, %mul3A_22 : i32
    "tpu.region"() ({
      %run_scoped3A = tpu.sem_alloc : memref<!tpu.dma_semaphore, #tpu.memory_space<semaphore_mem>>
      %dma_start3A_141 = arith.constant 0 : i32
      %dma_start3A_142 = tpu.memref_slice %arg3[%add3A, %mul3A_23, %dma_start3A_141] : memref<32x40x128xi32, #tpu.memory_space<hbm>> -> memref<1x40x128xi32, #tpu.memory_space<hbm>>
      %dma_start3A_143 = tpu.memref_squeeze %dma_start3A_142 : memref<1x40x128xi32, #tpu.memory_space<hbm>> -> memref<40x128xi32, #tpu.memory_space<hbm>>
      %dma_start3A_144 = arith.constant 0 : i32
      %dma_start3A_145 = tpu.memref_slice %arg3[%add3A, %mul3A_23, %dma_start3A_144] : memref<32x40x128xi32, #tpu.memory_space<hbm>> -> memref<1x40x128xi32, #tpu.memory_space<hbm>>
      %dma_start3A_146 = tpu.memref_squeeze %dma_start3A_145 : memref<1x40x128xi32, #tpu.memory_space<hbm>> -> memref<40x128xi32, #tpu.memory_space<hbm>>
      tpu.enqueue_dma source(%dma_start3A_146 : memref<40x128xi32, #tpu.memory_space<hbm>>) target(%arg6 : memref<40x128xi32, #tpu.memory_space<vmem>>) target_semaphore(%run_scoped3A : memref<!tpu.dma_semaphore, #tpu.memory_space<semaphore_mem>>)
      %dma_wait3A_147 = arith.constant 0 : i32
      %dma_wait3A_148 = tpu.memref_slice %arg3[%add3A, %mul3A_23, %dma_wait3A_147] : memref<32x40x128xi32, #tpu.memory_space<hbm>> -> memref<1x40x128xi32, #tpu.memory_space<hbm>>
      %dma_wait3A_149 = tpu.memref_squeeze %dma_wait3A_148 : memref<1x40x128xi32, #tpu.memory_space<hbm>> -> memref<40x128xi32, #tpu.memory_space<hbm>>
      %dma_wait3A_150 = arith.constant 0 : i32
      %dma_wait3A_151 = tpu.memref_slice %arg3[%add3A, %mul3A_23, %dma_wait3A_150] : memref<32x40x128xi32, #tpu.memory_space<hbm>> -> memref<1x40x128xi32, #tpu.memory_space<hbm>>
      %dma_wait3A_152 = tpu.memref_squeeze %dma_wait3A_151 : memref<1x40x128xi32, #tpu.memory_space<hbm>> -> memref<40x128xi32, #tpu.memory_space<hbm>>
      tpu.wait_dma2 semaphore(%run_scoped3A : memref<!tpu.dma_semaphore, #tpu.memory_space<semaphore_mem>>) src(%dma_wait3A_152 : memref<40x128xi32, #tpu.memory_space<hbm>>) dst(%arg6 : memref<40x128xi32, #tpu.memory_space<vmem>>)
      tpu.yield
    }) : () -> ()
    %mul3A_24 = arith.constant 40 : i32
    %mul3A_25 = arith.muli %scan3A_21, %mul3A_24 : i32
    "tpu.region"() ({
      %run_scoped3A = tpu.sem_alloc : memref<!tpu.dma_semaphore, #tpu.memory_space<semaphore_mem>>
      %dma_start3A_141 = arith.constant 0 : i32
      %dma_start3A_142 = tpu.memref_slice %arg4[%add3A, %mul3A_25, %dma_start3A_141] : memref<32x40x128xi32, #tpu.memory_space<hbm>> -> memref<1x40x128xi32, #tpu.memory_space<hbm>>
      %dma_start3A_143 = tpu.memref_squeeze %dma_start3A_142 : memref<1x40x128xi32, #tpu.memory_space<hbm>> -> memref<40x128xi32, #tpu.memory_space<hbm>>
      %dma_start3A_144 = arith.constant 0 : i32
      %dma_start3A_145 = tpu.memref_slice %arg4[%add3A, %mul3A_25, %dma_start3A_144] : memref<32x40x128xi32, #tpu.memory_space<hbm>> -> memref<1x40x128xi32, #tpu.memory_space<hbm>>
      %dma_start3A_146 = tpu.memref_squeeze %dma_start3A_145 : memref<1x40x128xi32, #tpu.memory_space<hbm>> -> memref<40x128xi32, #tpu.memory_space<hbm>>
      tpu.enqueue_dma source(%dma_start3A_146 : memref<40x128xi32, #tpu.memory_space<hbm>>) target(%arg7 : memref<40x128xi32, #tpu.memory_space<vmem>>) target_semaphore(%run_scoped3A : memref<!tpu.dma_semaphore, #tpu.memory_space<semaphore_mem>>)
      %dma_wait3A_147 = arith.constant 0 : i32
      %dma_wait3A_148 = tpu.memref_slice %arg4[%add3A, %mul3A_25, %dma_wait3A_147] : memref<32x40x128xi32, #tpu.memory_space<hbm>> -> memref<1x40x128xi32, #tpu.memory_space<hbm>>
      %dma_wait3A_149 = tpu.memref_squeeze %dma_wait3A_148 : memref<1x40x128xi32, #tpu.memory_space<hbm>> -> memref<40x128xi32, #tpu.memory_space<hbm>>
      %dma_wait3A_150 = arith.constant 0 : i32
      %dma_wait3A_151 = tpu.memref_slice %arg4[%add3A, %mul3A_25, %dma_wait3A_150] : memref<32x40x128xi32, #tpu.memory_space<hbm>> -> memref<1x40x128xi32, #tpu.memory_space<hbm>>
      %dma_wait3A_152 = tpu.memref_squeeze %dma_wait3A_151 : memref<1x40x128xi32, #tpu.memory_space<hbm>> -> memref<40x128xi32, #tpu.memory_space<hbm>>
      tpu.wait_dma2 semaphore(%run_scoped3A : memref<!tpu.dma_semaphore, #tpu.memory_space<semaphore_mem>>) src(%dma_wait3A_152 : memref<40x128xi32, #tpu.memory_space<hbm>>) dst(%arg7 : memref<40x128xi32, #tpu.memory_space<vmem>>)
      tpu.yield
    }) : () -> ()
    %dma_start3A = arith.constant 0 : i32
    %dma_start3A_26 = arith.constant 0 : i32
    %dma_start3A_27 = tpu.memref_slice %arg6[%dma_start3A, %dma_start3A_26] : memref<40x128xi32, #tpu.memory_space<vmem>> -> memref<1x128xi32, #tpu.memory_space<vmem>>
    %dma_start3A_28 = tpu.memref_squeeze %dma_start3A_27 : memref<1x128xi32, #tpu.memory_space<vmem>> -> memref<128xi32, #tpu.memory_space<vmem>>
    %dma_start3A_29 = arith.constant 0 : i32
    %dma_start3A_30 = arith.constant 0 : i32
    %dma_start3A_31 = tpu.memref_slice %arg2[%dma_start3A_29, %dma_start3A_30] : memref<10000x128xf32, #tpu.memory_space<hbm>> -> memref<10000x128xf32, #tpu.memory_space<hbm>>
    tpu.enqueue_indirect_dma source(%dma_start3A_31 : memref<10000x128xf32, #tpu.memory_space<hbm>>) target(%arg8 : memref<128x128xf32, #tpu.memory_space<vmem>>) offsets(%dma_start3A_28 : memref<128xi32, #tpu.memory_space<vmem>>) semaphore(%arg10 : memref<!tpu.dma_semaphore, #tpu.memory_space<semaphore_mem>>)
    %dma_wait3A = arith.constant 0 : i32
    %dma_wait3A_32 = arith.constant 0 : i32
    %dma_wait3A_33 = tpu.memref_slice %arg2[%dma_wait3A, %dma_wait3A_32] : memref<10000x128xf32, #tpu.memory_space<hbm>> -> memref<128x128xf32, #tpu.memory_space<hbm>>
    %dma_wait3A_34 = arith.constant 0 : i32
    %dma_wait3A_35 = arith.constant 0 : i32
    %dma_wait3A_36 = tpu.memref_slice %arg2[%dma_wait3A_34, %dma_wait3A_35] : memref<10000x128xf32, #tpu.memory_space<hbm>> -> memref<128x128xf32, #tpu.memory_space<hbm>>
    tpu.wait_dma2 semaphore(%arg10 : memref<!tpu.dma_semaphore, #tpu.memory_space<semaphore_mem>>) src(%dma_wait3A_36 : memref<128x128xf32, #tpu.memory_space<hbm>>) dst(%arg8 : memref<128x128xf32, #tpu.memory_space<vmem>>)
    %dma_start3A_37 = arith.constant 0 : i32
    %dma_start3A_38 = arith.constant 0 : i32
    %dma_start3A_39 = tpu.memref_slice %arg7[%dma_start3A_37, %dma_start3A_38] : memref<40x128xi32, #tpu.memory_space<vmem>> -> memref<1x128xi32, #tpu.memory_space<vmem>>
    %dma_start3A_40 = tpu.memref_squeeze %dma_start3A_39 : memref<1x128xi32, #tpu.memory_space<vmem>> -> memref<128xi32, #tpu.memory_space<vmem>>
    %dma_start3A_41 = arith.constant 0 : i32
    %dma_start3A_42 = arith.constant 0 : i32
    %dma_start3A_43 = tpu.memref_slice %arg14[%dma_start3A_41, %dma_start3A_42] : memref<10240x128xf32, #tpu.memory_space<vmem_shared>> -> memref<10240x128xf32, #tpu.memory_space<vmem_shared>>
    tpu.enqueue_indirect_dma source(%arg8 : memref<128x128xf32, #tpu.memory_space<vmem>>) target(%dma_start3A_43 : memref<10240x128xf32, #tpu.memory_space<vmem_shared>>) offsets(%dma_start3A_40 : memref<128xi32, #tpu.memory_space<vmem>>) semaphore(%arg12 : memref<!tpu.dma_semaphore, #tpu.memory_space<semaphore_mem>>) {add = true}
    %dma_start3A_44 = arith.constant 1 : i32
    %dma_start3A_45 = arith.constant 0 : i32
    %dma_start3A_46 = tpu.memref_slice %arg6[%dma_start3A_44, %dma_start3A_45] : memref<40x128xi32, #tpu.memory_space<vmem>> -> memref<1x128xi32, #tpu.memory_space<vmem>>
    %dma_start3A_47 = tpu.memref_squeeze %dma_start3A_46 : memref<1x128xi32, #tpu.memory_space<vmem>> -> memref<128xi32, #tpu.memory_space<vmem>>
    %dma_start3A_48 = arith.constant 0 : i32
    %dma_start3A_49 = arith.constant 0 : i32
    %dma_start3A_50 = tpu.memref_slice %arg2[%dma_start3A_48, %dma_start3A_49] : memref<10000x128xf32, #tpu.memory_space<hbm>> -> memref<10000x128xf32, #tpu.memory_space<hbm>>
    tpu.enqueue_indirect_dma source(%dma_start3A_50 : memref<10000x128xf32, #tpu.memory_space<hbm>>) target(%arg9 : memref<128x128xf32, #tpu.memory_space<vmem>>) offsets(%dma_start3A_47 : memref<128xi32, #tpu.memory_space<vmem>>) semaphore(%arg11 : memref<!tpu.dma_semaphore, #tpu.memory_space<semaphore_mem>>)
    %dma_wait3A_51 = arith.constant 0 : i32
    %dma_wait3A_52 = arith.constant 0 : i32
    %dma_wait3A_53 = tpu.memref_slice %arg2[%dma_wait3A_51, %dma_wait3A_52] : memref<10000x128xf32, #tpu.memory_space<hbm>> -> memref<128x128xf32, #tpu.memory_space<hbm>>
    %dma_wait3A_54 = arith.constant 0 : i32
    %dma_wait3A_55 = arith.constant 0 : i32
    %dma_wait3A_56 = tpu.memref_slice %arg2[%dma_wait3A_54, %dma_wait3A_55] : memref<10000x128xf32, #tpu.memory_space<hbm>> -> memref<128x128xf32, #tpu.memory_space<hbm>>
    tpu.wait_dma2 semaphore(%arg11 : memref<!tpu.dma_semaphore, #tpu.memory_space<semaphore_mem>>) src(%dma_wait3A_56 : memref<128x128xf32, #tpu.memory_space<hbm>>) dst(%arg9 : memref<128x128xf32, #tpu.memory_space<vmem>>)
    %dma_start3A_57 = arith.constant 1 : i32
    %dma_start3A_58 = arith.constant 0 : i32
    %dma_start3A_59 = tpu.memref_slice %arg7[%dma_start3A_57, %dma_start3A_58] : memref<40x128xi32, #tpu.memory_space<vmem>> -> memref<1x128xi32, #tpu.memory_space<vmem>>
    %dma_start3A_60 = tpu.memref_squeeze %dma_start3A_59 : memref<1x128xi32, #tpu.memory_space<vmem>> -> memref<128xi32, #tpu.memory_space<vmem>>
    %dma_start3A_61 = arith.constant 0 : i32
    %dma_start3A_62 = arith.constant 0 : i32
    %dma_start3A_63 = tpu.memref_slice %arg14[%dma_start3A_61, %dma_start3A_62] : memref<10240x128xf32, #tpu.memory_space<vmem_shared>> -> memref<10240x128xf32, #tpu.memory_space<vmem_shared>>
    tpu.enqueue_indirect_dma source(%arg9 : memref<128x128xf32, #tpu.memory_space<vmem>>) target(%dma_start3A_63 : memref<10240x128xf32, #tpu.memory_space<vmem_shared>>) offsets(%dma_start3A_60 : memref<128xi32, #tpu.memory_space<vmem>>) semaphore(%arg13 : memref<!tpu.dma_semaphore, #tpu.memory_space<semaphore_mem>>) {add = true}
    %dma_wait3A_64 = arith.constant 0 : i32
    %dma_wait3A_65 = arith.constant 0 : i32
    %dma_wait3A_66 = tpu.memref_slice %arg14[%dma_wait3A_64, %dma_wait3A_65] : memref<10240x128xf32, #tpu.memory_space<vmem_shared>> -> memref<128x128xf32, #tpu.memory_space<vmem_shared>>
    %dma_wait3A_67 = arith.constant 0 : i32
    %dma_wait3A_68 = arith.constant 0 : i32
    %dma_wait3A_69 = tpu.memref_slice %arg14[%dma_wait3A_67, %dma_wait3A_68] : memref<10240x128xf32, #tpu.memory_space<vmem_shared>> -> memref<128x128xf32, #tpu.memory_space<vmem_shared>>
    tpu.wait_dma2 semaphore(%arg12 : memref<!tpu.dma_semaphore, #tpu.memory_space<semaphore_mem>>) src(%arg8 : memref<128x128xf32, #tpu.memory_space<vmem>>) dst(%dma_wait3A_69 : memref<128x128xf32, #tpu.memory_space<vmem_shared>>)
    %dma_start3A_70 = arith.constant 2 : i32
    %dma_start3A_71 = arith.constant 0 : i32
    %dma_start3A_72 = tpu.memref_slice %arg6[%dma_start3A_70, %dma_start3A_71] : memref<40x128xi32, #tpu.memory_space<vmem>> -> memref<1x128xi32, #tpu.memory_space<vmem>>
    %dma_start3A_73 = tpu.memref_squeeze %dma_start3A_72 : memref<1x128xi32, #tpu.memory_space<vmem>> -> memref<128xi32, #tpu.memory_space<vmem>>
    %dma_start3A_74 = arith.constant 0 : i32
    %dma_start3A_75 = arith.constant 0 : i32
    %dma_start3A_76 = tpu.memref_slice %arg2[%dma_start3A_74, %dma_start3A_75] : memref<10000x128xf32, #tpu.memory_space<hbm>> -> memref<10000x128xf32, #tpu.memory_space<hbm>>
    tpu.enqueue_indirect_dma source(%dma_start3A_76 : memref<10000x128xf32, #tpu.memory_space<hbm>>) target(%arg8 : memref<128x128xf32, #tpu.memory_space<vmem>>) offsets(%dma_start3A_73 : memref<128xi32, #tpu.memory_space<vmem>>) semaphore(%arg10 : memref<!tpu.dma_semaphore, #tpu.memory_space<semaphore_mem>>)
    %scan3A_77 = arith.constant 0 : i32
    %scan3A_78 = arith.constant 1 : i32
    %scan3A_79 = arith.constant 18 : i32
    %scan3A_80 = arith.addi %scan3A_78, %scan3A_79 : i32
    %scan3A_81 = arith.constant 1 : i32
    %scan3A_82 = scf.for %scan3A_141 = %scan3A_78 to %scan3A_80 step %scan3A_81 iter_args(%scan3A_142 = %scan3A_77) -> (i32)  : i32 {
      %mul3A_143 = arith.constant 2 : i32
      %mul3A_144 = arith.muli %mul3A_143, %scan3A_141 : i32
      %dma_wait3A_145 = arith.constant 0 : i32
      %dma_wait3A_146 = arith.constant 0 : i32
      %dma_wait3A_147 = tpu.memref_slice %arg2[%dma_wait3A_145, %dma_wait3A_146] : memref<10000x128xf32, #tpu.memory_space<hbm>> -> memref<128x128xf32, #tpu.memory_space<hbm>>
      %dma_wait3A_148 = arith.constant 0 : i32
      %dma_wait3A_149 = arith.constant 0 : i32
      %dma_wait3A_150 = tpu.memref_slice %arg2[%dma_wait3A_148, %dma_wait3A_149] : memref<10000x128xf32, #tpu.memory_space<hbm>> -> memref<128x128xf32, #tpu.memory_space<hbm>>
      tpu.wait_dma2 semaphore(%arg10 : memref<!tpu.dma_semaphore, #tpu.memory_space<semaphore_mem>>) src(%dma_wait3A_150 : memref<128x128xf32, #tpu.memory_space<hbm>>) dst(%arg8 : memref<128x128xf32, #tpu.memory_space<vmem>>)
      %dma_start3A_151 = arith.constant 0 : i32
      %dma_start3A_152 = tpu.memref_slice %arg7[%mul3A_144, %dma_start3A_151] : memref<40x128xi32, #tpu.memory_space<vmem>> -> memref<1x128xi32, #tpu.memory_space<vmem>>
      %dma_start3A_153 = tpu.memref_squeeze %dma_start3A_152 : memref<1x128xi32, #tpu.memory_space<vmem>> -> memref<128xi32, #tpu.memory_space<vmem>>
      %dma_start3A_154 = arith.constant 0 : i32
      %dma_start3A_155 = arith.constant 0 : i32
      %dma_start3A_156 = tpu.memref_slice %arg14[%dma_start3A_154, %dma_start3A_155] : memref<10240x128xf32, #tpu.memory_space<vmem_shared>> -> memref<10240x128xf32, #tpu.memory_space<vmem_shared>>
      tpu.enqueue_indirect_dma source(%arg8 : memref<128x128xf32, #tpu.memory_space<vmem>>) target(%dma_start3A_156 : memref<10240x128xf32, #tpu.memory_space<vmem_shared>>) offsets(%dma_start3A_153 : memref<128xi32, #tpu.memory_space<vmem>>) semaphore(%arg12 : memref<!tpu.dma_semaphore, #tpu.memory_space<semaphore_mem>>) {add = true}
      %dma_wait3A_157 = arith.constant 0 : i32
      %dma_wait3A_158 = arith.constant 0 : i32
      %dma_wait3A_159 = tpu.memref_slice %arg14[%dma_wait3A_157, %dma_wait3A_158] : memref<10240x128xf32, #tpu.memory_space<vmem_shared>> -> memref<128x128xf32, #tpu.memory_space<vmem_shared>>
      %dma_wait3A_160 = arith.constant 0 : i32
      %dma_wait3A_161 = arith.constant 0 : i32
      %dma_wait3A_162 = tpu.memref_slice %arg14[%dma_wait3A_160, %dma_wait3A_161] : memref<10240x128xf32, #tpu.memory_space<vmem_shared>> -> memref<128x128xf32, #tpu.memory_space<vmem_shared>>
      tpu.wait_dma2 semaphore(%arg13 : memref<!tpu.dma_semaphore, #tpu.memory_space<semaphore_mem>>) src(%arg9 : memref<128x128xf32, #tpu.memory_space<vmem>>) dst(%dma_wait3A_162 : memref<128x128xf32, #tpu.memory_space<vmem_shared>>)
      %add3A_163 = arith.constant 1 : i32
      %add3A_164 = arith.addi %mul3A_144, %add3A_163 : i32
      %dma_start3A_165 = arith.constant 0 : i32
      %dma_start3A_166 = tpu.memref_slice %arg6[%add3A_164, %dma_start3A_165] : memref<40x128xi32, #tpu.memory_space<vmem>> -> memref<1x128xi32, #tpu.memory_space<vmem>>
      %dma_start3A_167 = tpu.memref_squeeze %dma_start3A_166 : memref<1x128xi32, #tpu.memory_space<vmem>> -> memref<128xi32, #tpu.memory_space<vmem>>
      %dma_start3A_168 = arith.constant 0 : i32
      %dma_start3A_169 = arith.constant 0 : i32
      %dma_start3A_170 = tpu.memref_slice %arg2[%dma_start3A_168, %dma_start3A_169] : memref<10000x128xf32, #tpu.memory_space<hbm>> -> memref<10000x128xf32, #tpu.memory_space<hbm>>
      tpu.enqueue_indirect_dma source(%dma_start3A_170 : memref<10000x128xf32, #tpu.memory_space<hbm>>) target(%arg9 : memref<128x128xf32, #tpu.memory_space<vmem>>) offsets(%dma_start3A_167 : memref<128xi32, #tpu.memory_space<vmem>>) semaphore(%arg11 : memref<!tpu.dma_semaphore, #tpu.memory_space<semaphore_mem>>)
      %mul3A_171 = arith.constant 2 : i32
      %mul3A_172 = arith.muli %mul3A_171, %scan3A_141 : i32
      %add3A_173 = arith.constant 1 : i32
      %add3A_174 = arith.addi %mul3A_172, %add3A_173 : i32
      %dma_wait3A_175 = arith.constant 0 : i32
      %dma_wait3A_176 = arith.constant 0 : i32
      %dma_wait3A_177 = tpu.memref_slice %arg2[%dma_wait3A_175, %dma_wait3A_176] : memref<10000x128xf32, #tpu.memory_space<hbm>> -> memref<128x128xf32, #tpu.memory_space<hbm>>
      %dma_wait3A_178 = arith.constant 0 : i32
      %dma_wait3A_179 = arith.constant 0 : i32
      %dma_wait3A_180 = tpu.memref_slice %arg2[%dma_wait3A_178, %dma_wait3A_179] : memref<10000x128xf32, #tpu.memory_space<hbm>> -> memref<128x128xf32, #tpu.memory_space<hbm>>
      tpu.wait_dma2 semaphore(%arg11 : memref<!tpu.dma_semaphore, #tpu.memory_space<semaphore_mem>>) src(%dma_wait3A_180 : memref<128x128xf32, #tpu.memory_space<hbm>>) dst(%arg9 : memref<128x128xf32, #tpu.memory_space<vmem>>)
      %dma_start3A_181 = arith.constant 0 : i32
      %dma_start3A_182 = tpu.memref_slice %arg7[%add3A_174, %dma_start3A_181] : memref<40x128xi32, #tpu.memory_space<vmem>> -> memref<1x128xi32, #tpu.memory_space<vmem>>
      %dma_start3A_183 = tpu.memref_squeeze %dma_start3A_182 : memref<1x128xi32, #tpu.memory_space<vmem>> -> memref<128xi32, #tpu.memory_space<vmem>>
      %dma_start3A_184 = arith.constant 0 : i32
      %dma_start3A_185 = arith.constant 0 : i32
      %dma_start3A_186 = tpu.memref_slice %arg14[%dma_start3A_184, %dma_start3A_185] : memref<10240x128xf32, #tpu.memory_space<vmem_shared>> -> memref<10240x128xf32, #tpu.memory_space<vmem_shared>>
      tpu.enqueue_indirect_dma source(%arg9 : memref<128x128xf32, #tpu.memory_space<vmem>>) target(%dma_start3A_186 : memref<10240x128xf32, #tpu.memory_space<vmem_shared>>) offsets(%dma_start3A_183 : memref<128xi32, #tpu.memory_space<vmem>>) semaphore(%arg13 : memref<!tpu.dma_semaphore, #tpu.memory_space<semaphore_mem>>) {add = true}
      %dma_wait3A_187 = arith.constant 0 : i32
      %dma_wait3A_188 = arith.constant 0 : i32
      %dma_wait3A_189 = tpu.memref_slice %arg14[%dma_wait3A_187, %dma_wait3A_188] : memref<10240x128xf32, #tpu.memory_space<vmem_shared>> -> memref<128x128xf32, #tpu.memory_space<vmem_shared>>
      %dma_wait3A_190 = arith.constant 0 : i32
      %dma_wait3A_191 = arith.constant 0 : i32
      %dma_wait3A_192 = tpu.memref_slice %arg14[%dma_wait3A_190, %dma_wait3A_191] : memref<10240x128xf32, #tpu.memory_space<vmem_shared>> -> memref<128x128xf32, #tpu.memory_space<vmem_shared>>
      tpu.wait_dma2 semaphore(%arg12 : memref<!tpu.dma_semaphore, #tpu.memory_space<semaphore_mem>>) src(%arg8 : memref<128x128xf32, #tpu.memory_space<vmem>>) dst(%dma_wait3A_192 : memref<128x128xf32, #tpu.memory_space<vmem_shared>>)
      %add3A_193 = arith.constant 1 : i32
      %add3A_194 = arith.addi %add3A_174, %add3A_193 : i32
      %dma_start3A_195 = arith.constant 0 : i32
      %dma_start3A_196 = tpu.memref_slice %arg6[%add3A_194, %dma_start3A_195] : memref<40x128xi32, #tpu.memory_space<vmem>> -> memref<1x128xi32, #tpu.memory_space<vmem>>
      %dma_start3A_197 = tpu.memref_squeeze %dma_start3A_196 : memref<1x128xi32, #tpu.memory_space<vmem>> -> memref<128xi32, #tpu.memory_space<vmem>>
      %dma_start3A_198 = arith.constant 0 : i32
      %dma_start3A_199 = arith.constant 0 : i32
      %dma_start3A_200 = tpu.memref_slice %arg2[%dma_start3A_198, %dma_start3A_199] : memref<10000x128xf32, #tpu.memory_space<hbm>> -> memref<10000x128xf32, #tpu.memory_space<hbm>>
      tpu.enqueue_indirect_dma source(%dma_start3A_200 : memref<10000x128xf32, #tpu.memory_space<hbm>>) target(%arg8 : memref<128x128xf32, #tpu.memory_space<vmem>>) offsets(%dma_start3A_197 : memref<128xi32, #tpu.memory_space<vmem>>) semaphore(%arg10 : memref<!tpu.dma_semaphore, #tpu.memory_space<semaphore_mem>>)
      %scan3A_201 = arith.constant 0 : i32
      scf.yield %scan3A_201 : i32
    }
    %scan3A_83 = arith.constant 18 : i32
    %dma_wait3A_84 = arith.constant 0 : i32
    %dma_wait3A_85 = arith.constant 0 : i32
    %dma_wait3A_86 = tpu.memref_slice %arg2[%dma_wait3A_84, %dma_wait3A_85] : memref<10000x128xf32, #tpu.memory_space<hbm>> -> memref<128x128xf32, #tpu.memory_space<hbm>>
    %dma_wait3A_87 = arith.constant 0 : i32
    %dma_wait3A_88 = arith.constant 0 : i32
    %dma_wait3A_89 = tpu.memref_slice %arg2[%dma_wait3A_87, %dma_wait3A_88] : memref<10000x128xf32, #tpu.memory_space<hbm>> -> memref<128x128xf32, #tpu.memory_space<hbm>>
    tpu.wait_dma2 semaphore(%arg10 : memref<!tpu.dma_semaphore, #tpu.memory_space<semaphore_mem>>) src(%dma_wait3A_89 : memref<128x128xf32, #tpu.memory_space<hbm>>) dst(%arg8 : memref<128x128xf32, #tpu.memory_space<vmem>>)
    %dma_start3A_90 = arith.constant 38 : i32
    %dma_start3A_91 = arith.constant 0 : i32
    %dma_start3A_92 = tpu.memref_slice %arg7[%dma_start3A_90, %dma_start3A_91] : memref<40x128xi32, #tpu.memory_space<vmem>> -> memref<1x128xi32, #tpu.memory_space<vmem>>
    %dma_start3A_93 = tpu.memref_squeeze %dma_start3A_92 : memref<1x128xi32, #tpu.memory_space<vmem>> -> memref<128xi32, #tpu.memory_space<vmem>>
    %dma_start3A_94 = arith.constant 0 : i32
    %dma_start3A_95 = arith.constant 0 : i32
    %dma_start3A_96 = tpu.memref_slice %arg14[%dma_start3A_94, %dma_start3A_95] : memref<10240x128xf32, #tpu.memory_space<vmem_shared>> -> memref<10240x128xf32, #tpu.memory_space<vmem_shared>>
    tpu.enqueue_indirect_dma source(%arg8 : memref<128x128xf32, #tpu.memory_space<vmem>>) target(%dma_start3A_96 : memref<10240x128xf32, #tpu.memory_space<vmem_shared>>) offsets(%dma_start3A_93 : memref<128xi32, #tpu.memory_space<vmem>>) semaphore(%arg12 : memref<!tpu.dma_semaphore, #tpu.memory_space<semaphore_mem>>) {add = true}
    %dma_wait3A_97 = arith.constant 0 : i32
    %dma_wait3A_98 = arith.constant 0 : i32
    %dma_wait3A_99 = tpu.memref_slice %arg14[%dma_wait3A_97, %dma_wait3A_98] : memref<10240x128xf32, #tpu.memory_space<vmem_shared>> -> memref<128x128xf32, #tpu.memory_space<vmem_shared>>
    %dma_wait3A_100 = arith.constant 0 : i32
    %dma_wait3A_101 = arith.constant 0 : i32
    %dma_wait3A_102 = tpu.memref_slice %arg14[%dma_wait3A_100, %dma_wait3A_101] : memref<10240x128xf32, #tpu.memory_space<vmem_shared>> -> memref<128x128xf32, #tpu.memory_space<vmem_shared>>
    tpu.wait_dma2 semaphore(%arg13 : memref<!tpu.dma_semaphore, #tpu.memory_space<semaphore_mem>>) src(%arg9 : memref<128x128xf32, #tpu.memory_space<vmem>>) dst(%dma_wait3A_102 : memref<128x128xf32, #tpu.memory_space<vmem_shared>>)
    %dma_start3A_103 = arith.constant 39 : i32
    %dma_start3A_104 = arith.constant 0 : i32
    %dma_start3A_105 = tpu.memref_slice %arg6[%dma_start3A_103, %dma_start3A_104] : memref<40x128xi32, #tpu.memory_space<vmem>> -> memref<1x128xi32, #tpu.memory_space<vmem>>
    %dma_start3A_106 = tpu.memref_squeeze %dma_start3A_105 : memref<1x128xi32, #tpu.memory_space<vmem>> -> memref<128xi32, #tpu.memory_space<vmem>>
    %dma_start3A_107 = arith.constant 0 : i32
    %dma_start3A_108 = arith.constant 0 : i32
    %dma_start3A_109 = tpu.memref_slice %arg2[%dma_start3A_107, %dma_start3A_108] : memref<10000x128xf32, #tpu.memory_space<hbm>> -> memref<10000x128xf32, #tpu.memory_space<hbm>>
    tpu.enqueue_indirect_dma source(%dma_start3A_109 : memref<10000x128xf32, #tpu.memory_space<hbm>>) target(%arg9 : memref<128x128xf32, #tpu.memory_space<vmem>>) offsets(%dma_start3A_106 : memref<128xi32, #tpu.memory_space<vmem>>) semaphore(%arg11 : memref<!tpu.dma_semaphore, #tpu.memory_space<semaphore_mem>>)
    %dma_wait3A_110 = arith.constant 0 : i32
    %dma_wait3A_111 = arith.constant 0 : i32
    %dma_wait3A_112 = tpu.memref_slice %arg2[%dma_wait3A_110, %dma_wait3A_111] : memref<10000x128xf32, #tpu.memory_space<hbm>> -> memref<128x128xf32, #tpu.memory_space<hbm>>
    %dma_wait3A_113 = arith.constant 0 : i32
    %dma_wait3A_114 = arith.constant 0 : i32
    %dma_wait3A_115 = tpu.memref_slice %arg2[%dma_wait3A_113, %dma_wait3A_114] : memref<10000x128xf32, #tpu.memory_space<hbm>> -> memref<128x128xf32, #tpu.memory_space<hbm>>
    tpu.wait_dma2 semaphore(%arg11 : memref<!tpu.dma_semaphore, #tpu.memory_space<semaphore_mem>>) src(%dma_wait3A_115 : memref<128x128xf32, #tpu.memory_space<hbm>>) dst(%arg9 : memref<128x128xf32, #tpu.memory_space<vmem>>)
    %dma_start3A_116 = arith.constant 39 : i32
    %dma_start3A_117 = arith.constant 0 : i32
    %dma_start3A_118 = tpu.memref_slice %arg7[%dma_start3A_116, %dma_start3A_117] : memref<40x128xi32, #tpu.memory_space<vmem>> -> memref<1x128xi32, #tpu.memory_space<vmem>>
    %dma_start3A_119 = tpu.memref_squeeze %dma_start3A_118 : memref<1x128xi32, #tpu.memory_space<vmem>> -> memref<128xi32, #tpu.memory_space<vmem>>
    %dma_start3A_120 = arith.constant 0 : i32
    %dma_start3A_121 = arith.constant 0 : i32
    %dma_start3A_122 = tpu.memref_slice %arg14[%dma_start3A_120, %dma_start3A_121] : memref<10240x128xf32, #tpu.memory_space<vmem_shared>> -> memref<10240x128xf32, #tpu.memory_space<vmem_shared>>
    tpu.enqueue_indirect_dma source(%arg9 : memref<128x128xf32, #tpu.memory_space<vmem>>) target(%dma_start3A_122 : memref<10240x128xf32, #tpu.memory_space<vmem_shared>>) offsets(%dma_start3A_119 : memref<128xi32, #tpu.memory_space<vmem>>) semaphore(%arg13 : memref<!tpu.dma_semaphore, #tpu.memory_space<semaphore_mem>>) {add = true}
    %dma_wait3A_123 = arith.constant 0 : i32
    %dma_wait3A_124 = arith.constant 0 : i32
    %dma_wait3A_125 = tpu.memref_slice %arg14[%dma_wait3A_123, %dma_wait3A_124] : memref<10240x128xf32, #tpu.memory_space<vmem_shared>> -> memref<128x128xf32, #tpu.memory_space<vmem_shared>>
    %dma_wait3A_126 = arith.constant 0 : i32
    %dma_wait3A_127 = arith.constant 0 : i32
    %dma_wait3A_128 = tpu.memref_slice %arg14[%dma_wait3A_126, %dma_wait3A_127] : memref<10240x128xf32, #tpu.memory_space<vmem_shared>> -> memref<128x128xf32, #tpu.memory_space<vmem_shared>>
    tpu.wait_dma2 semaphore(%arg12 : memref<!tpu.dma_semaphore, #tpu.memory_space<semaphore_mem>>) src(%arg8 : memref<128x128xf32, #tpu.memory_space<vmem>>) dst(%dma_wait3A_128 : memref<128x128xf32, #tpu.memory_space<vmem_shared>>)
    %dma_wait3A_129 = arith.constant 0 : i32
    %dma_wait3A_130 = arith.constant 0 : i32
    %dma_wait3A_131 = tpu.memref_slice %arg14[%dma_wait3A_129, %dma_wait3A_130] : memref<10240x128xf32, #tpu.memory_space<vmem_shared>> -> memref<128x128xf32, #tpu.memory_space<vmem_shared>>
    %dma_wait3A_132 = arith.constant 0 : i32
    %dma_wait3A_133 = arith.constant 0 : i32
    %dma_wait3A_134 = tpu.memref_slice %arg14[%dma_wait3A_132, %dma_wait3A_133] : memref<10240x128xf32, #tpu.memory_space<vmem_shared>> -> memref<128x128xf32, #tpu.memory_space<vmem_shared>>
    tpu.wait_dma2 semaphore(%arg13 : memref<!tpu.dma_semaphore, #tpu.memory_space<semaphore_mem>>) src(%arg9 : memref<128x128xf32, #tpu.memory_space<vmem>>) dst(%dma_wait3A_134 : memref<128x128xf32, #tpu.memory_space<vmem_shared>>)
    %scan3A_135 = arith.constant 0 : i32
    %scan3A_136 = arith.constant 1 : i32
    %barrier3A_137 = arith.constant 0 : index
    tpu.barrier barrier_id(%barrier3A_137)
    %mul3A_138 = arith.constant 10240 : i32
    %mul3A_139 = arith.muli %arg0, %mul3A_138 : i32
    %add3A_140 = arith.addi %mul3A_139, %mul3A_9 : i32
    "tpu.region"() ({
      %run_scoped3A = tpu.sem_alloc : memref<!tpu.dma_semaphore, #tpu.memory_space<semaphore_mem>>
      %dma_start3A_141 = arith.constant 0 : i32
      %dma_start3A_142 = tpu.memref_slice %arg5[%add3A_140, %dma_start3A_141] : memref<20480x128xf32, #tpu.memory_space<hbm>> -> memref<640x128xf32, #tpu.memory_space<hbm>>
      %dma_start3A_143 = arith.constant 0 : i32
      %dma_start3A_144 = tpu.memref_slice %arg14[%mul3A_9, %dma_start3A_143] : memref<10240x128xf32, #tpu.memory_space<vmem_shared>> -> memref<640x128xf32, #tpu.memory_space<vmem_shared>>
      tpu.enqueue_dma source(%dma_start3A_144 : memref<640x128xf32, #tpu.memory_space<vmem_shared>>) target(%dma_start3A_142 : memref<640x128xf32, #tpu.memory_space<hbm>>) target_semaphore(%run_scoped3A : memref<!tpu.dma_semaphore, #tpu.memory_space<semaphore_mem>>)
      %dma_wait3A_145 = arith.constant 0 : i32
      %dma_wait3A_146 = tpu.memref_slice %arg5[%add3A_140, %dma_wait3A_145] : memref<20480x128xf32, #tpu.memory_space<hbm>> -> memref<640x128xf32, #tpu.memory_space<hbm>>
      %dma_wait3A_147 = arith.constant 0 : i32
      %dma_wait3A_148 = tpu.memref_slice %arg14[%mul3A_9, %dma_wait3A_147] : memref<10240x128xf32, #tpu.memory_space<vmem_shared>> -> memref<640x128xf32, #tpu.memory_space<vmem_shared>>
      tpu.wait_dma2 semaphore(%run_scoped3A : memref<!tpu.dma_semaphore, #tpu.memory_space<semaphore_mem>>) src(%dma_wait3A_148 : memref<640x128xf32, #tpu.memory_space<vmem_shared>>) dst(%dma_wait3A_146 : memref<640x128xf32, #tpu.memory_space<hbm>>)
      tpu.yield
    }) : () -> ()
    return
  }
}

module attributes {stable_mosaic.version = 14 : i64} {
  func.func @body(%arg0: i32, %arg1: i32, %arg2: memref<1000x128xf32, #tpu.memory_space<vmem>>, %arg3: memref<1000x128xf32, #tpu.memory_space<vmem>>, %arg4: memref<1000x128xf32, #tpu.memory_space<vmem>>, %arg5: memref<1000x128xf32, #tpu.memory_space<vmem>>, %arg6: memref<1000x1xf32, #tpu.memory_space<vmem>>) attributes {dimension_semantics = [#tpu.dimension_semantics<arbitrary>, #tpu.dimension_semantics<arbitrary>], iteration_bounds = array<i64: 2, 10>, scalar_prefetch = 0 : i64, scratch_operands = 0 : i64, tpu.core_type = #tpu.core_type<tc>, window_params = [{transform_indices = @transform_0, window_bounds = array<i64: 1000, 128>}, {transform_indices = @transform_1, window_bounds = array<i64: 1000, 128>}, {transform_indices = @transform_2, window_bounds = array<i64: 1000, 128>}, {transform_indices = @transform_3, window_bounds = array<i64: 1000, 128>}, {transform_indices = @transform_4, window_bounds = array<i64: 1000, 1>}]} {
    %get3A = arith.constant 0 : index
    %get3A_0 = arith.constant 0 : index
    %get3A_1 = vector.load %arg3[%get3A, %get3A_0] : memref<1000x128xf32, #tpu.memory_space<vmem>>, vector<1000x1xf32>
    %get3A_2 = arith.constant 0 : index
    %get3A_3 = arith.constant 0 : index
    %get3A_4 = vector.load %arg4[%get3A_2, %get3A_3] : memref<1000x128xf32, #tpu.memory_space<vmem>>, vector<1000x1xf32>
    %add3A = arith.addf %get3A_1, %get3A_4 : vector<1000x1xf32>
    %add3A_5 = arith.constant 1.000000e+00 : f32
    %add3A_6 = vector.broadcast %add3A_5 : f32 to vector<1000x1xf32>
    %add3A_7 = arith.addf %add3A, %add3A_6 : vector<1000x1xf32>
    %rsqrt3A = math.rsqrt %add3A_7 : vector<1000x1xf32>
    %swap3A = arith.constant 0 : index
    %swap3A_8 = arith.constant 0 : index
    %swap3A_9 = vector.load %arg6[%swap3A, %swap3A_8] : memref<1000x1xf32, #tpu.memory_space<vmem>>, vector<1000x1xf32>
    tpu.vector_store %arg6[%swap3A, %swap3A_8], %rsqrt3A {strides = array<i32>} : memref<1000x1xf32, #tpu.memory_space<vmem>>, vector<1000x1xf32>,
    %get3A_10 = arith.constant 0 : index
    %get3A_11 = arith.constant 0 : index
    %get3A_12 = vector.load %arg2[%get3A_10, %get3A_11] : memref<1000x128xf32, #tpu.memory_space<vmem>>, vector<1000x128xf32>
    %mul3A = vector.broadcast %rsqrt3A : vector<1000x1xf32> to vector<1000x128xf32>
    %mul3A_13 = arith.mulf %get3A_12, %mul3A : vector<1000x128xf32>
    %swap3A_14 = arith.constant 0 : index
    %swap3A_15 = arith.constant 0 : index
    %swap3A_16 = vector.load %arg5[%swap3A_14, %swap3A_15] : memref<1000x128xf32, #tpu.memory_space<vmem>>, vector<1000x128xf32>
    tpu.vector_store %arg5[%swap3A_14, %swap3A_15], %mul3A_13 {strides = array<i32>} : memref<1000x128xf32, #tpu.memory_space<vmem>>, vector<1000x128xf32>,
    return
  }
  func.func @transform_0(%arg0: i32, %arg1: i32) -> (i32, i32) {
    %c0_i32 = arith.constant 0 : i32
    return %arg1, %arg0 : i32, i32
  }
  func.func @transform_1(%arg0: i32, %arg1: i32) -> (i32, i32) {
    %c0_i32 = arith.constant 0 : i32
    %c0_i32_0 = arith.constant 0 : i32
    return %arg1, %c0_i32 : i32, i32
  }
  func.func @transform_2(%arg0: i32, %arg1: i32) -> (i32, i32) {
    %c0_i32 = arith.constant 0 : i32
    %c0_i32_0 = arith.constant 0 : i32
    return %arg1, %c0_i32 : i32, i32
  }
  func.func @transform_3(%arg0: i32, %arg1: i32) -> (i32, i32) {
    %mul3A = arith.constant 10 : i32
    %mul3A_0 = arith.muli %arg0, %mul3A : i32
    %add3A = arith.addi %mul3A_0, %arg1 : i32
    %c0_i32 = arith.constant 0 : i32
    %c0_i32_1 = arith.constant 0 : i32
    return %add3A, %c0_i32 : i32, i32
  }
  func.func @transform_4(%arg0: i32, %arg1: i32) -> (i32, i32) {
    %c0_i32 = arith.constant 0 : i32
    %c0_i32_0 = arith.constant 0 : i32
    return %arg1, %c0_i32 : i32, i32
  }
}

module attributes {stable_mosaic.version = 14 : i64} {
  func.func @body(%arg0: i32, %arg1: memref<1000x128xf32, #tpu.memory_space<vmem>>, %arg2: memref<1000x128xf32, #tpu.memory_space<vmem>>, %arg3: memref<1000x128xf32, #tpu.memory_space<vmem>>, %arg4: memref<1000x128xf32, #tpu.memory_space<vmem>>, %arg5: memref<1000x1xf32, #tpu.memory_space<vmem>>, %arg6: memref<128x512xf32, #tpu.memory_space<vmem>>, %arg7: memref<128x512xf32, #tpu.memory_space<vmem>>, %arg8: memref<1x512xf32, #tpu.memory_space<vmem>>, %arg9: memref<512x128xf32, #tpu.memory_space<vmem>>, %arg10: memref<1000x128xf32, #tpu.memory_space<vmem>>) attributes {dimension_semantics = [#tpu.dimension_semantics<arbitrary>], iteration_bounds = array<i64: 10>, scalar_prefetch = 0 : i64, scratch_operands = 0 : i64, tpu.core_type = #tpu.core_type<tc>, window_params = [{transform_indices = @transform_0, window_bounds = array<i64: 1000, 128>}, {transform_indices = @transform_1, window_bounds = array<i64: 1000, 128>}, {transform_indices = @transform_2, window_bounds = array<i64: 1000, 128>}, {transform_indices = @transform_3, window_bounds = array<i64: 1000, 128>}, {transform_indices = @transform_4, window_bounds = array<i64: 1000, 1>}, {pipeline_mode = #tpu.pipeline_mode<synchronous>, transform_indices = @transform_5, window_bounds = array<i64: 128, 512>}, {pipeline_mode = #tpu.pipeline_mode<synchronous>, transform_indices = @transform_6, window_bounds = array<i64: 128, 512>}, {pipeline_mode = #tpu.pipeline_mode<synchronous>, transform_indices = @transform_7, window_bounds = array<i64: 1, 512>}, {pipeline_mode = #tpu.pipeline_mode<synchronous>, transform_indices = @transform_8, window_bounds = array<i64: 512, 128>}, {transform_indices = @transform_9, window_bounds = array<i64: 1000, 128>}]} {
    %get3A = arith.constant 0 : index
    %get3A_0 = arith.constant 0 : index
    %get3A_1 = vector.load %arg5[%get3A, %get3A_0] : memref<1000x1xf32, #tpu.memory_space<vmem>>, vector<1000x1xf32>
    %get3A_2 = arith.constant 0 : index
    %get3A_3 = arith.constant 0 : index
    %get3A_4 = vector.load %arg1[%get3A_2, %get3A_3] : memref<1000x128xf32, #tpu.memory_space<vmem>>, vector<1000x128xf32>
    %get3A_5 = arith.constant 0 : index
    %get3A_6 = arith.constant 0 : index
    %get3A_7 = vector.load %arg3[%get3A_5, %get3A_6] : memref<1000x128xf32, #tpu.memory_space<vmem>>, vector<1000x128xf32>
    %add3A = arith.addf %get3A_4, %get3A_7 : vector<1000x128xf32>
    %mul3A = vector.broadcast %get3A_1 : vector<1000x1xf32> to vector<1000x128xf32>
    %mul3A_8 = arith.mulf %add3A, %mul3A : vector<1000x128xf32>
    %get3A_9 = arith.constant 0 : index
    %get3A_10 = arith.constant 0 : index
    %get3A_11 = vector.load %arg2[%get3A_9, %get3A_10] : memref<1000x128xf32, #tpu.memory_space<vmem>>, vector<1000x128xf32>
    %get3A_12 = arith.constant 0 : index
    %get3A_13 = arith.constant 0 : index
    %get3A_14 = vector.load %arg4[%get3A_12, %get3A_13] : memref<1000x128xf32, #tpu.memory_space<vmem>>, vector<1000x128xf32>
    %add3A_15 = arith.addf %get3A_11, %get3A_14 : vector<1000x128xf32>
    %mul3A_16 = vector.broadcast %get3A_1 : vector<1000x1xf32> to vector<1000x128xf32>
    %mul3A_17 = arith.mulf %add3A_15, %mul3A_16 : vector<1000x128xf32>
    %get3A_18 = arith.constant 0 : index
    %get3A_19 = arith.constant 0 : index
    %get3A_20 = vector.load %arg6[%get3A_18, %get3A_19] : memref<128x512xf32, #tpu.memory_space<vmem>>, vector<128x512xf32>
    %dot_general3A = arith.constant dense<0.000000e+00> : vector<1000x512xf32>
    %dot_general3A_21 = tpu.matmul %mul3A_8, %get3A_20, %dot_general3A {dimension_numbers = #tpu.dot_dimension_numbers<[1], [0], [0], [1], [0, 0, 1, 1], [], []>, transpose_lhs_hint = false} : vector<1000x128xf32>, vector<128x512xf32>, vector<1000x512xf32> -> vector<1000x512xf32>
    %get3A_22 = arith.constant 0 : index
    %get3A_23 = arith.constant 0 : index
    %get3A_24 = vector.load %arg7[%get3A_22, %get3A_23] : memref<128x512xf32, #tpu.memory_space<vmem>>, vector<128x512xf32>
    %dot_general3A_25 = arith.constant dense<0.000000e+00> : vector<1000x512xf32>
    %dot_general3A_26 = tpu.matmul %mul3A_17, %get3A_24, %dot_general3A_25 {dimension_numbers = #tpu.dot_dimension_numbers<[1], [0], [0], [1], [0, 0, 1, 1], [], []>, transpose_lhs_hint = false} : vector<1000x128xf32>, vector<128x512xf32>, vector<1000x512xf32> -> vector<1000x512xf32>
    %add3A_27 = arith.addf %dot_general3A_21, %dot_general3A_26 : vector<1000x512xf32>
    %get3A_28 = arith.constant 0 : index
    %get3A_29 = arith.constant 0 : index
    %get3A_30 = vector.load %arg8[%get3A_28, %get3A_29] : memref<1x512xf32, #tpu.memory_space<vmem>>, vector<1x512xf32>
    %add3A_31 = vector.broadcast %get3A_30 : vector<1x512xf32> to vector<1000x512xf32>
    %add3A_32 = arith.addf %add3A_27, %add3A_31 : vector<1000x512xf32>
    %max3A = arith.constant 0.000000e+00 : f32
    %max3A_33 = vector.broadcast %max3A : f32 to vector<1000x512xf32>
    %max3A_34 = arith.maximumf %add3A_32, %max3A_33 : vector<1000x512xf32>
    %get3A_35 = arith.constant 0 : index
    %get3A_36 = arith.constant 0 : index
    %get3A_37 = vector.load %arg9[%get3A_35, %get3A_36] : memref<512x128xf32, #tpu.memory_space<vmem>>, vector<512x128xf32>
    %dot_general3A_38 = arith.constant dense<0.000000e+00> : vector<1000x128xf32>
    %dot_general3A_39 = tpu.matmul %max3A_34, %get3A_37, %dot_general3A_38 {dimension_numbers = #tpu.dot_dimension_numbers<[1], [0], [0], [1], [0, 0, 1, 1], [], []>, transpose_lhs_hint = false} : vector<1000x512xf32>, vector<512x128xf32>, vector<1000x128xf32> -> vector<1000x128xf32>
    %mul3A_40 = vector.broadcast %get3A_1 : vector<1000x1xf32> to vector<1000x128xf32>
    %mul3A_41 = arith.mulf %dot_general3A_39, %mul3A_40 : vector<1000x128xf32>
    %swap3A = arith.constant 0 : index
    %swap3A_42 = arith.constant 0 : index
    %swap3A_43 = vector.load %arg10[%swap3A, %swap3A_42] : memref<1000x128xf32, #tpu.memory_space<vmem>>, vector<1000x128xf32>
    tpu.vector_store %arg10[%swap3A, %swap3A_42], %mul3A_41 {strides = array<i32>} : memref<1000x128xf32, #tpu.memory_space<vmem>>, vector<1000x128xf32>,
    return
  }
  func.func @transform_0(%arg0: i32) -> (i32, i32) {
    %c0_i32 = arith.constant 0 : i32
    %c0_i32_0 = arith.constant 0 : i32
    return %arg0, %c0_i32 : i32, i32
  }
  func.func @transform_1(%arg0: i32) -> (i32, i32) {
    %c0_i32 = arith.constant 0 : i32
    %c0_i32_0 = arith.constant 0 : i32
    return %arg0, %c0_i32 : i32, i32
  }
  func.func @transform_2(%arg0: i32) -> (i32, i32) {
    %c0_i32 = arith.constant 0 : i32
    %c0_i32_0 = arith.constant 0 : i32
    return %arg0, %c0_i32 : i32, i32
  }
  func.func @transform_3(%arg0: i32) -> (i32, i32) {
    %c0_i32 = arith.constant 0 : i32
    %c0_i32_0 = arith.constant 0 : i32
    return %arg0, %c0_i32 : i32, i32
  }
  func.func @transform_4(%arg0: i32) -> (i32, i32) {
    %c0_i32 = arith.constant 0 : i32
    %c0_i32_0 = arith.constant 0 : i32
    return %arg0, %c0_i32 : i32, i32
  }
  func.func @transform_5(%arg0: i32) -> (i32, i32) {
    %c0_i32 = arith.constant 0 : i32
    %c0_i32_0 = arith.constant 0 : i32
    %c0_i32_1 = arith.constant 0 : i32
    return %c0_i32, %c0_i32_0 : i32, i32
  }
  func.func @transform_6(%arg0: i32) -> (i32, i32) {
    %c0_i32 = arith.constant 0 : i32
    %c0_i32_0 = arith.constant 0 : i32
    %c0_i32_1 = arith.constant 0 : i32
    return %c0_i32, %c0_i32_0 : i32, i32
  }
  func.func @transform_7(%arg0: i32) -> (i32, i32) {
    %c0_i32 = arith.constant 0 : i32
    %c0_i32_0 = arith.constant 0 : i32
    %c0_i32_1 = arith.constant 0 : i32
    return %c0_i32, %c0_i32_0 : i32, i32
  }
  func.func @transform_8(%arg0: i32) -> (i32, i32) {
    %c0_i32 = arith.constant 0 : i32
    %c0_i32_0 = arith.constant 0 : i32
    %c0_i32_1 = arith.constant 0 : i32
    return %c0_i32, %c0_i32_0 : i32, i32
  }
  func.func @transform_9(%arg0: i32) -> (i32, i32) {
    %c0_i32 = arith.constant 0 : i32
    %c0_i32_0 = arith.constant 0 : i32
    return %arg0, %c0_i32 : i32, i32
  }
}

module attributes {stable_mosaic.version = 14 : i64} {
  func.func @body(%arg0: i32, %arg1: memref<1000x128xf32, #tpu.memory_space<vmem>>, %arg2: memref<1000x128xf32, #tpu.memory_space<vmem>>, %arg3: memref<1000x128xf32, #tpu.memory_space<vmem>>, %arg4: memref<1000x1xf32, #tpu.memory_space<vmem>>, %arg5: memref<1x128xf32, #tpu.memory_space<vmem>>, %arg6: memref<128x4xf32, #tpu.memory_space<vmem>>, %arg7: memref<1x4xf32, #tpu.memory_space<vmem>>, %arg8: memref<1000x4xf32, #tpu.memory_space<vmem>>) attributes {dimension_semantics = [#tpu.dimension_semantics<arbitrary>], iteration_bounds = array<i64: 10>, scalar_prefetch = 0 : i64, scratch_operands = 0 : i64, tpu.core_type = #tpu.core_type<tc>, window_params = [{transform_indices = @transform_0, window_bounds = array<i64: 1000, 128>}, {transform_indices = @transform_1, window_bounds = array<i64: 1000, 128>}, {transform_indices = @transform_2, window_bounds = array<i64: 1000, 128>}, {transform_indices = @transform_3, window_bounds = array<i64: 1000, 1>}, {pipeline_mode = #tpu.pipeline_mode<synchronous>, transform_indices = @transform_4, window_bounds = array<i64: 1, 128>}, {pipeline_mode = #tpu.pipeline_mode<synchronous>, transform_indices = @transform_5, window_bounds = array<i64: 128, 4>}, {pipeline_mode = #tpu.pipeline_mode<synchronous>, transform_indices = @transform_6, window_bounds = array<i64: 1, 4>}, {transform_indices = @transform_7, window_bounds = array<i64: 1000, 4>}]} {
    %get3A = arith.constant 0 : index
    %get3A_0 = arith.constant 0 : index
    %get3A_1 = vector.load %arg1[%get3A, %get3A_0] : memref<1000x128xf32, #tpu.memory_space<vmem>>, vector<1000x128xf32>
    %get3A_2 = arith.constant 0 : index
    %get3A_3 = arith.constant 0 : index
    %get3A_4 = vector.load %arg2[%get3A_2, %get3A_3] : memref<1000x128xf32, #tpu.memory_space<vmem>>, vector<1000x128xf32>
    %add3A = arith.addf %get3A_1, %get3A_4 : vector<1000x128xf32>
    %get3A_5 = arith.constant 0 : index
    %get3A_6 = arith.constant 0 : index
    %get3A_7 = vector.load %arg3[%get3A_5, %get3A_6] : memref<1000x128xf32, #tpu.memory_space<vmem>>, vector<1000x128xf32>
    %add3A_8 = arith.addf %add3A, %get3A_7 : vector<1000x128xf32>
    %get3A_9 = arith.constant 0 : index
    %get3A_10 = arith.constant 0 : index
    %get3A_11 = vector.load %arg4[%get3A_9, %get3A_10] : memref<1000x1xf32, #tpu.memory_space<vmem>>, vector<1000x1xf32>
    %mul3A = vector.broadcast %get3A_11 : vector<1000x1xf32> to vector<1000x128xf32>
    %mul3A_12 = arith.mulf %add3A_8, %mul3A : vector<1000x128xf32>
    %get3A_13 = arith.constant 0 : index
    %get3A_14 = arith.constant 0 : index
    %get3A_15 = vector.load %arg5[%get3A_13, %get3A_14] : memref<1x128xf32, #tpu.memory_space<vmem>>, vector<1x128xf32>
    %add3A_16 = vector.broadcast %get3A_15 : vector<1x128xf32> to vector<1000x128xf32>
    %add3A_17 = arith.addf %mul3A_12, %add3A_16 : vector<1000x128xf32>
    %max3A = arith.constant 0.000000e+00 : f32
    %max3A_18 = vector.broadcast %max3A : f32 to vector<1000x128xf32>
    %max3A_19 = arith.maximumf %add3A_17, %max3A_18 : vector<1000x128xf32>
    %get3A_20 = arith.constant 0 : index
    %get3A_21 = arith.constant 0 : index
    %get3A_22 = vector.load %arg6[%get3A_20, %get3A_21] : memref<128x4xf32, #tpu.memory_space<vmem>>, vector<128x4xf32>
    %dot_general3A = arith.constant dense<0.000000e+00> : vector<1000x4xf32>
    %dot_general3A_23 = tpu.matmul %max3A_19, %get3A_22, %dot_general3A {dimension_numbers = #tpu.dot_dimension_numbers<[1], [0], [0], [1], [0, 0, 1, 1], [], []>, transpose_lhs_hint = false} : vector<1000x128xf32>, vector<128x4xf32>, vector<1000x4xf32> -> vector<1000x4xf32>
    %get3A_24 = arith.constant 0 : index
    %get3A_25 = arith.constant 0 : index
    %get3A_26 = vector.load %arg7[%get3A_24, %get3A_25] : memref<1x4xf32, #tpu.memory_space<vmem>>, vector<1x4xf32>
    %add3A_27 = vector.broadcast %get3A_26 : vector<1x4xf32> to vector<1000x4xf32>
    %add3A_28 = arith.addf %dot_general3A_23, %add3A_27 : vector<1000x4xf32>
    %reduce_max3A = arith.constant dense<0xFF800000> : vector<1000xf32>
    %reduce_max3A_29 = vector.multi_reduction <maximumf>, %add3A_28, %reduce_max3A [1] : vector<1000x4xf32> to vector<1000xf32>
    %broadcast_in_dim3A = vector.shape_cast %reduce_max3A_29 : vector<1000xf32> to vector<1000x1xf32>
    %sub3A = vector.broadcast %broadcast_in_dim3A : vector<1000x1xf32> to vector<1000x4xf32>
    %sub3A_30 = arith.subf %add3A_28, %sub3A : vector<1000x4xf32>
    %exp3A = math.exp %sub3A_30 : vector<1000x4xf32>
    %reduce_sum3A = arith.constant dense<0.000000e+00> : vector<1000xf32>
    %reduce_sum3A_31 = vector.multi_reduction <add>, %exp3A, %reduce_sum3A [1] : vector<1000x4xf32> to vector<1000xf32>
    %broadcast_in_dim3A_32 = vector.shape_cast %reduce_sum3A_31 : vector<1000xf32> to vector<1000x1xf32>
    %log3A = math.log %broadcast_in_dim3A_32 : vector<1000x1xf32>
    %sub3A_33 = vector.broadcast %log3A : vector<1000x1xf32> to vector<1000x4xf32>
    %sub3A_34 = arith.subf %sub3A_30, %sub3A_33 : vector<1000x4xf32>
    %swap3A = arith.constant 0 : index
    %swap3A_35 = arith.constant 0 : index
    %swap3A_36 = vector.load %arg8[%swap3A, %swap3A_35] : memref<1000x4xf32, #tpu.memory_space<vmem>>, vector<1000x4xf32>
    tpu.vector_store %arg8[%swap3A, %swap3A_35], %sub3A_34 {strides = array<i32>} : memref<1000x4xf32, #tpu.memory_space<vmem>>, vector<1000x4xf32>,
    return
  }
  func.func @transform_0(%arg0: i32) -> (i32, i32) {
    %c0_i32 = arith.constant 0 : i32
    %c0_i32_0 = arith.constant 0 : i32
    return %arg0, %c0_i32 : i32, i32
  }
  func.func @transform_1(%arg0: i32) -> (i32, i32) {
    %c0_i32 = arith.constant 0 : i32
    %c0_i32_0 = arith.constant 0 : i32
    return %arg0, %c0_i32 : i32, i32
  }
  func.func @transform_2(%arg0: i32) -> (i32, i32) {
    %c0_i32 = arith.constant 0 : i32
    %c0_i32_0 = arith.constant 0 : i32
    return %arg0, %c0_i32 : i32, i32
  }
  func.func @transform_3(%arg0: i32) -> (i32, i32) {
    %c0_i32 = arith.constant 0 : i32
    %c0_i32_0 = arith.constant 0 : i32
    return %arg0, %c0_i32 : i32, i32
  }
  func.func @transform_4(%arg0: i32) -> (i32, i32) {
    %c0_i32 = arith.constant 0 : i32
    %c0_i32_0 = arith.constant 0 : i32
    %c0_i32_1 = arith.constant 0 : i32
    return %c0_i32, %c0_i32_0 : i32, i32
  }
  func.func @transform_5(%arg0: i32) -> (i32, i32) {
    %c0_i32 = arith.constant 0 : i32
    %c0_i32_0 = arith.constant 0 : i32
    %c0_i32_1 = arith.constant 0 : i32
    return %c0_i32, %c0_i32_0 : i32, i32
  }
  func.func @transform_6(%arg0: i32) -> (i32, i32) {
    %c0_i32 = arith.constant 0 : i32
    %c0_i32_0 = arith.constant 0 : i32
    %c0_i32_1 = arith.constant 0 : i32
    return %c0_i32, %c0_i32_0 : i32, i32
  }
  func.func @transform_7(%arg0: i32) -> (i32, i32) {
    %c0_i32 = arith.constant 0 : i32
    %c0_i32_0 = arith.constant 0 : i32
    return %arg0, %c0_i32 : i32, i32
  }
}

</mosaic_0001>

<sc_bundles>
// kernel: kernel.11.cloned.1.call-start
scs
__scs_entry_jumppad:
0x0: {  	(pc) =	sbr.rel $0x88, $3  }
0x1: {  	(tag) =	ssettag $0x0;
	lr =	simm.s32 $0x1  }
0x2: {  	[smem:$0x3F99] =	sst lr;
	_ =	strace $0xD0000000  }
0x3: {  	_ = 	snop  }
0x4: {  	_ = 	snop  }
0x5: {  	_ = 	snop  }
0x6: {  	_ = 	snop  }
0x7: {  	_ = 	snop  }
__scs_overlays_trampoline_lowered:
0x8: {  	[smem:$0x3FA8] =	sst s0  }
0x9: {  	[smem:$0x3FA9] =	sst s1  }
0xa: {  	[smem:$0x3FAA] =	sst s2  }
0xb: {  	[smem:$0x3FAB] =	sst s3  }
0xc: {  	[smem:$0x3FAC] =	sst s4  }
0xd: {  	[smem:$0x3FAD] =	sst s5  }
0xe: {  	[smem:$0x3FAE] =	sst s6  }
0xf: {  	[smem:$0x3FAF] =	sst s7  }
0x10: {  	[smem:$0x3FB0] =	sst s8  }
0x11: {  	[smem:$0x3FB1] =	sst s9;
	s0 =	simm.s32 @!p0 $0x0  }
0x12: {  	s1 =	sld [smem:$0x3F97];
	s0 =	simm.s32 @p0 $0x1  }
0x13: {  	[smem:$0x3FB2] =	sst s0;
	s0 =	simm.s32 @!p1 $0x0  }
0x14: {  	s2 =	sld [smem:$0x3F96];
	s0 =	simm.s32 @p1 $0x1  }
0x15: {  	[smem:$0x3FB3] =	sst s0;
	s0 =	simm.s32 @!p2 $0x0  }
0x16: {  	s3 =	sld [smem:$0x3FDB];
	s0 =	simm.s32 @p2 $0x1  }
0x17: {  	s4 =	simm.s32 $0x1BF5;
	[smem:$0x3FB5] =	sst s0  }
0x18: {  	s0 =	sld [smem:$0x3F98];
	_ =	swait.ge [sflag:s4], $0x0  }
0x19: {  	s7 =	sld [smem:$0x3F99]  }
0x1a: {  	s8 =	sadd.s32 $0xFFFFE003, lr  }
0x1b: {  	s9 =	sadd.s32 $0xFFFFFEF7, lr;
	s5 =	simm.s32 $0xFFFFFFFF;
	p2 =	slt.u32 s8, $0xFFFFF086  }
0x1c: {  	p1 =	slt.u32 s9, $0xF7A;
	s5 =	simm.s32 @!p2 $0x0  }
0x1d: {  	s5 =	simm.s32 @p1 $0x1;
	p0 =	seq.s32 s7, s2  }
0x1e: {  	s7 =	smul.u32 @!p0 $0xF7A, s2;
	p2 =	seq.s32 @!p0 s5, $0x0  }
0x1f: {  	s9 =	smul.u32 $0xF7A, s1;
	s8 =	simm.s32 @!p0 $0x1BF5;
	p2 =	por !p2, p0  }
0x20: {  	[sflag:s8] =	ssyncset.s32 @!p0 $0xFFFFF086;
	s6 =	sadd.s32 @!p0 s3, s7;
	s7 =	simm.s32 @!p0 $0x108  }
0x21: {  	s3 =	sadd.s32 s3, s9;
	s6 =	sadd.s32 @!p0 $0x88, s6;
	s7 =	simm.s32 @p2 $0x1082  }
0x22: {  	[simem:s7], [sflag:s8] =	dma.local @!p0 [hbm:s6], $0xF7A  }
0x23: {  	s9 =	sor.u32 $0xD0000000, s2;
	s6 =	simm.s32 $0x108;
	_ =	swait.ge @!p0 [sflag:s8], $0x0  }
0x24: {  	s3 =	sadd.s32 $0x88, s3;
	s6 =	simm.s32 @!p1 $0x1082;
	[sflag:s4] =	ssyncset.s32 $0xFFFFF086  }
0x25: {  	[simem:s6], [sflag:s4] =	dma.local [hbm:s3], $0xF7A  }
0x26: {  	[smem:$0x3F99] =	sst s1;
	(tag) =	ssettag s2;
	_ =	strace s9  }
0x27: {  	s1 =	sld [smem:$0x3FA9]  }
0x28: {  	s2 =	sld [smem:$0x3FAA]  }
0x29: {  	s4 =	sld [smem:$0x3FAC]  }
0x2a: {  	p0 =	seq.s32 s5, $0x0;
	s5 =	sld [smem:$0x3FAD]  }
0x2b: {  	s6 =	sld [smem:$0x3FAE]  }
0x2c: {  	s7 =	sld [smem:$0x3FAF]  }
0x2d: {  	s3 =	simm.s32 $0x108;
	s8 =	sld [smem:$0x3FB0]  }
0x2e: {  	s3 =	simm.s32 @!p0 $0x1082;
	s9 =	sld [smem:$0x3FB1]  }
0x2f: {  	lr =	sadd.s32 s0, s3;
	s0 =	sld [smem:$0x3FA8]  }
0x30: {  	s3 =	sld [smem:$0x3FAB]  }
0x31: {  	[smem:$0x3FB4] =	sst s10  }
0x32: {  	s10 =	sld [smem:$0x3FB2];
	_ =	sdelay $0x3  }
0x33: {  	p0 =	seq.s32 s10, $0x1;
	s10 =	sld [smem:$0x3FB4];
	_ =	sdelay $0x3  }
0x34: {  	[smem:$0x3FB4] =	sst s10  }
0x35: {  	s10 =	sld [smem:$0x3FB3];
	_ =	sdelay $0x3  }
0x36: {  	p1 =	seq.s32 s10, $0x1;
	s10 =	sld [smem:$0x3FB4];
	_ =	sdelay $0x3  }
0x37: {  	[smem:$0x3FB4] =	sst s10  }
0x38: {  	s10 =	sld [smem:$0x3FB5]  }
0x39: {  	_ = 	snop;
	(pc) =	sbr.ind lr, $3  }
0x3a: {  	_ = 	snop  }
0x3b: {  	_ = 	snop  }
0x3c: {  	p2 =	seq.s32 s10, $0x1;
	s10 =	sld [smem:$0x3FB4]  }
0x3d: {  	_ =	shalt  }
0x3e: {  	_ =	shalt  }
0x3f: {  	_ =	shalt  }
0x40: {  	_ =	shalt  }
0x41: {  	_ =	shalt  }
0x42: {  	_ =	shalt  }
0x43: {  	_ =	shalt  }
0x44: {  	_ =	shalt  }
0x45: {  	_ =	shalt  }
0x46: {  	_ =	shalt  }
0x47: {  	_ =	shalt  }
0x48: {  	_ =	shalt  }
0x49: {  	_ =	shalt  }
0x4a: {  	_ =	shalt  }
0x4b: {  	_ =	shalt  }
0x4c: {  	_ =	shalt  }
0x4d: {  	_ =	shalt  }
0x4e: {  	_ =	shalt  }
0x4f: {  	_ =	shalt  }
0x50: {  	_ =	shalt  }
0x51: {  	_ =	shalt  }
0x52: {  	_ =	shalt  }
0x53: {  	_ =	shalt  }
0x54: {  	_ =	shalt  }
0x55: {  	_ =	shalt  }
0x56: {  	_ =	shalt  }
0x57: {  	_ =	shalt  }
0x58: {  	_ =	shalt  }
0x59: {  	_ =	shalt  }
0x5a: {  	_ =	shalt  }
0x5b: {  	_ =	shalt  }
0x5c: {  	_ =	shalt  }
0x5d: {  	_ =	shalt  }
0x5e: {  	_ =	shalt  }
0x5f: {  	_ =	shalt  }
0x60: {  	_ =	shalt  }
0x61: {  	_ =	shalt  }
0x62: {  	_ =	shalt  }
0x63: {  	_ =	shalt  }
0x64: {  	_ =	shalt  }
0x65: {  	_ =	shalt  }
0x66: {  	_ =	shalt  }
0x67: {  	_ =	shalt  }
0x68: {  	_ =	shalt  }
0x69: {  	_ =	shalt  }
0x6a: {  	_ =	shalt  }
0x6b: {  	_ =	shalt  }
0x6c: {  	_ =	shalt  }
0x6d: {  	_ =	shalt  }
0x6e: {  	_ =	shalt  }
0x6f: {  	_ =	shalt  }
0x70: {  	_ =	shalt  }
0x71: {  	_ =	shalt  }
0x72: {  	_ =	shalt  }
0x73: {  	_ =	shalt  }
0x74: {  	_ =	shalt  }
0x75: {  	_ =	shalt  }
0x76: {  	_ =	shalt  }
0x77: {  	_ =	shalt  }
0x78: {  	_ =	shalt  }
0x79: {  	_ =	shalt  }
0x7a: {  	_ =	shalt  }
0x7b: {  	_ =	shalt  }
0x7c: {  	_ =	shalt  }
0x7d: {  	_ =	shalt  }
0x7e: {  	_ =	shalt  }
0x7f: {  	_ =	shalt  }
0x80: {  	_ =	shalt  }
0x81: {  	_ =	shalt  }
0x82: {  	_ =	shalt  }
0x83: {  	_ =	shalt  }
0x84: {  	_ =	shalt  }
0x85: {  	_ =	shalt  }
0x86: {  	_ =	shalt  }
0x87: {  	_ =	shalt  }
.Lfunc_end0:
.L_simem_size_0:
called_computation.1_lowered:
.L_overlay_start_0:
0x88: {  	s2 =	sld [smem:$0x3FD9]  }
0x89: {  	s3 =	sld [smem:$0x3FFE];
	_ =	sdelay $0x1  }
0x8a: {  	s1 =	srdreg.scid  }
0x8b: {  	s0 =	sand.u32 $0x1, s1  }
0x8c: {  	s16 =	sshll.u32 s0, $0xA;
	s2 =	sadd.s32 s3, s2  }
0x8d: {  	s2 =	sadd.s32 s2, s16  }
0x8e: {  	[smem:$0x3FC0] =	sst s2  }
0x8f: {  	_ = 	snop  }
0x90: {  	(tm) =	ssettm $0x1  }
0x91: {  	s17 =	sld [smem:$0x3FFB];
	_ =	sdelay $0x3  }
0x92: {  	_ =	strace s17  }
0x93: {  	s2 =	sld [smem:$0x3FFC];
	_ =	sdelay $0x3  }
0x94: {  	_ =	strace s2  }
0x95: {  	s2 =	sld [smem:$0x3FFD];
	_ =	sdelay $0x3  }
0x96: {  	_ =	strace s2  }
0x97: {  	_ =	strace $0x8FFFFFFF  }
0x98: {  	s18 =	sld [smem:$0x3FDB];
	_ =	sdelay $0x1  }
0x99: {  	s19 =	simm.s32 $_scs_section_size  }
0x9a: {  	s4 =	simm.s32 $_size__tile_overlayer_lowered;
	s5 =	simm.s32 $_tile_overlayer_lowered  }
0x9b: {  	s22 =	simm.s32 $0x1BFF;
	s21 =	sshll.u32 s5, $0x1;
	s2 =	sadd.s32 s19, s18  }
0x9c: {  	s6 =	simm.s32 $0x0;
	s20 =	sshll.u32 s4, $0x1;
	s4 =	sadd.s32 s21, s2  }
0x9d: {  	[timem:s6], [sflag:s22] =	dma.local [hbm:s4], s20  }
0x9e: {  	_ =	swait.ge [sflag:s22], s20  }
0x9f: {  	s3 =	ssub.s32 $0x0, s20;
	[sflag:s22] =	ssyncset.done $0x0  }
0xa0: {  	[sflag:s22] =	ssyncadd.s32 s3;
	_ =	sdelay $0x1  }
0xa1: {  	s23 =	simm.s32 $0x1B8B  }
0xa2: {  	_ =	swait.ge [sflag:s23], $0x1  }
0xa3: {  	[sflag:s23] =	ssyncset.done $0x0  }
0xa4: {  	s25 =	simm.s32 $0x1B8E;
	s24 =	sld [smem:$0x3FFE];
	[sflag:s23] =	ssyncadd.s32 $0xFFFFFFFF  }
0xa5: {  	s26 =	simm.s32 $execute0_lowered;
	[smem:$0x3FD2] =	sst s25  }
0xa6: {  	s4 =	sshll.u32 s26, $0x1;
	_ =	strace $0x80000049;
	[dreg:$0x1] =	wrdreg $0xFFFFFFFF  }
0xa7: {  	s28 =	simm.s32 $_size_execute0_lowered;
	s2 =	sadd.s32 s2, s4;
	[dreg:$0x0] =	wrdreg $0x0  }
0xa8: {  	s4 =	sshll.u32 s28, $0x1;
	[dreg:$0x2] =	wrdreg s2  }
0xa9: {  	[dreg:$0x3] =	wrdreg s4  }
0xaa: {  	[dreg:$0x4] =	wrdreg $0xC0  }
0xab: {  	_ =	task [dreg:s6], $0x5FFFF  }
0xac: {  	[dreg:$0x1] =	wrdreg $0xFFFFFFFF  }
0xad: {  	[dreg:$0x0] =	wrdreg $0x60  }
0xae: {  	[dreg:$0x2] =	wrdreg s24  }
0xaf: {  	[dreg:$0x3] =	wrdreg $0xA8000  }
0xb0: {  	[dreg:$0x4] =	wrdreg $0x9  }
0xb1: {  	_ =	task.clear_ibuf [dreg:s6], $0x5FFFF;
	_ =	strace $0x90000049  }
0xb2: {  	s29 =	simm.s32 $0x9;
	_ =	strace $0x8000004B  }
0xb3: {  	_ =	swait.ge [sflag:s29], $0x1  }
0xb4: {  	[sflag:s29] =	ssyncadd.s32 $0xFFFFFFFF  }
0xb5: {  	_ =	strace $0x9000004B  }
0xb6: {  	_ =	sfence  }
0xb7: {  	s30 =	sld [smem:$0x0];
	_ =	sdelay $0x2  }
0xb8: {  	s31 =	sshll.u32 s1, $0xD;
	s1 =	sshrl.u32 s1, $0x2  }
0xb9: {  	s3 =	sand.u32 $0x4000, s31;
	s1 =	sadd.s32 s1, s30  }
0xba: {  	s0 =	sor.u32 s3, s0;
	s1 =	sshll.u32 s1, $0x11  }
0xbb: {  	s0 =	sor.u32 s1, s0  }
0xbc: {  	s0 =	sadd.s32 $0x8F2B, s0  }
0xbd: {  	[sflag:s0] =	ssyncadd.remote.s32 $0x1  }
0xbe: {  	_ =	sfence.sel $0xFFFF  }
0xbf: {  	[dreg:$0x0] =	wrdreg $0xFFFFFFFF;
	(pc) =	sbr.abs _section_cstart, $3  }
0xc0: {  	[dreg:$0x1] =	wrdreg $0xFFFFFFFF  }
0xc1: {  	_ =	task.clear_ibuf [dreg:s6], $0x2FFFF;
	_ =	strace $0x9FFFFFFF  }
0xc2: {  	(tm) =	ssettm $0x7FFFFFFF  }
0xc3: {  	_ =	shalt  }
tec
execute0_lowered:
.L_overlay_start_1:
0x0: {  	(tag) =	ssettag $0x1  }
0x1: {  	s0 =	rddreg [dreg:$0x0]  }
0x2: {  	s2 =	rddreg [dreg:$0x1];
	s4 =	srdreg.scid  }
0x3: {  	s1 =	stileid.u32;
	s3 =	simm.s32 $0x0;
	s15 =	simm.s32 $0x2800  }
0x4: {  	s16 =	simm.s32 $0x5;
	s17 =	simm.s32 $0x1400;
	s18 =	simm.s32 $0x80  }
0x5: {  	s19 =	simm.s32 $0x1;
	s20 =	simm.s32 $0x6800;
	s21 =	simm.s32 $0x2  }
0x6: {  	s22 =	simm.s32 $0x1480;
	s23 =	simm.s32 $0x3;
	s24 =	simm.s32 $0x100  }
0x7: {  	s28 =	simm.s32 $0x1380;
	s29 =	simm.s32 $0x2780;
	s30 =	simm.s32 $0x0  }
0x8: {  	s7 =	sand.u32 $0x1, s4;
	s8 =	smul.u32 $0x2800, s1;
	[smem:$0x7FF] =	sst s3  }
0x9: {  	s4 =	sadd.s32 $0x8400, s0;
	s10 =	smul.u32 $0x50000, s1;
	s5 =	sadd.s32 $0x58400, s0  }
0xa: {  	s6 =	sadd.s32 $0x89600, s0;
	s9 =	smul.u32 $0x28000, s7;
	_ =	strace $0x8000004A  }
0xb: {  	s25 =	ssub.s32 $0x2, s7;
	s11 =	sshll.u32 s7, $0x4;
	s26 =	sshrl.u32 s10, $0x2  }
0xc: {  	s31 =	sshrl.u32 s25, $0x1;
	s12 =	sor.u32 s1, s11;
	s8 =	sadd.s32 s8, s9  }
0xd: {  	s7 =	sadd.s32 s26, s2;
	s14 =	ssub.s32 s25, s31;
	s12 =	smul.u32 $0x2800, s12  }
0xe: {  	s25 =	simm.s32 $0x4;
	s26 =	simm.s32 $0x2700;
	s0 =	sadd.s32 s8, s0  }
0xf: {  	s8 =	sadd.s32 $0x4000, s7;
	s9 =	sadd.s32 $0x8000, s7;
	s10 =	sadd.s32 $0xC000, s7  }
0x10: {  	v0 =	vimm.f32 $0.0e+00;
	s11 =	sadd.s32 $0x10000, s7;
	s14 =	smax.u32 s14, $0x1;
	s13 =	sadd.s32 $0x93600, s0  }
.LBB2_1:
0x11: {  	s31 =	simm.s32 $0x0;
	s0 =	simm.s32 $0x200  }
.LBB2_2:
0x12: {  	p0 =	sne.s32 s0, $0xFE00;
	[tilespmem:s31+$0x2870] =	vst v0  }
0x13: {  	[tilespmem:s31+$0x2800] =	vst v0  }
0x14: {  	[tilespmem:s31+$0x2810] =	vst v0  }
.Ltmp0:
0x15: {  	[tilespmem:s31+$0x2820] =	vst v0;
	(pc) =	sbr.rel @p0 .LBB2_2-.Ltmp0, $4  }
0x16: {  	[tilespmem:s31+$0x2830] =	vst v0  }
0x17: {  	[tilespmem:s31+$0x2840] =	vst v0  }
0x18: {  	[tilespmem:s31+$0x2850] =	vst v0  }
0x19: {  	[tilespmem:s31+$0x2860] =	vst v0;
	s31 =	sshra.s32 s0, $0x2;
	s0 =	sadd.s32 $0x200, s0  }
0x1a: {  	[tilespmem:s31+$0x2870] =	vst v0  }
0x1b: {  	[tilespmem:s31+$0x2800] =	vst v0  }
0x1c: {  	[tilespmem:s31+$0x2810] =	vst v0  }
0x1d: {  	[tilespmem:s31+$0x2820] =	vst v0  }
0x1e: {  	[tilespmem:s31+$0x2830] =	vst v0  }
0x1f: {  	[tilespmem:s31+$0x2840] =	vst v0  }
0x20: {  	[tilespmem:s31+$0x2850] =	vst v0  }
0x21: {  	[tilespmem:s31+$0x2860] =	vst v0  }
0x22: {  	[spmem:s7] =	stream.linear.scatter [tilespmem:s15], [sflag:$0x5], $0x4000, $0x38;
	[tilespmem:$0x1E800] =	vst v63  }
0x23: {  	_ =	swait.ge [sflag:s16], $0x4000  }
0x24: {  	[sflag:s16] =	ssyncset.done $0x0  }
0x25: {  	[sflag:s16] =	ssyncadd.s32 $0xFFFFC000  }
0x26: {  	[spmem:s8] =	stream.linear.scatter [tilespmem:s15], [sflag:$0x5], $0x4000, $0x38;
	[tilespmem:$0x1E800] =	vst v63  }
0x27: {  	_ =	swait.ge [sflag:s16], $0x4000  }
0x28: {  	[sflag:s16] =	ssyncset.done $0x0  }
0x29: {  	[sflag:s16] =	ssyncadd.s32 $0xFFFFC000  }
0x2a: {  	[spmem:s9] =	stream.linear.scatter [tilespmem:s15], [sflag:$0x5], $0x4000, $0x38;
	[tilespmem:$0x1E800] =	vst v63  }
0x2b: {  	_ =	swait.ge [sflag:s16], $0x4000  }
0x2c: {  	[sflag:s16] =	ssyncset.done $0x0  }
0x2d: {  	[sflag:s16] =	ssyncadd.s32 $0xFFFFC000  }
0x2e: {  	[spmem:s10] =	stream.linear.scatter [tilespmem:s15], [sflag:$0x5], $0x4000, $0x38;
	[tilespmem:$0x1E800] =	vst v63  }
0x2f: {  	_ =	swait.ge [sflag:s16], $0x4000  }
0x30: {  	[sflag:s16] =	ssyncset.done $0x0  }
0x31: {  	[sflag:s16] =	ssyncadd.s32 $0xFFFFC000  }
0x32: {  	[spmem:s11] =	stream.linear.scatter [tilespmem:s15], [sflag:$0x5], $0x4000, $0x38;
	[tilespmem:$0x1E800] =	vst v63  }
0x33: {  	_ =	swait.ge [sflag:s16], $0x4000  }
0x34: {  	[sflag:s16] =	ssyncset.done $0x0  }
0x35: {  	[sflag:s16] =	ssyncadd.s32 $0xFFFFC000  }
0x36: {  	s0 =	simm.s32 $0x0;
	p1 =	por $0x1, $0x1;
	[bflag:$0x0] =	sbarrier.arrive $0xFFFF  }
.LBB2_4:
0x37: {  	s0 =	sadd.s32 s12, s0  }
0x38: {  	s0 =	sshrl.u32 s0, $0x3  }
0x39: {  	s31 =	sadd.s32 s5, s0  }
0x3a: {  	[tilespmem:s3], [sflag:$0x5] =	stream.linear.gather [hbm4b:s31+s3], $0x1400, $0x38;
	[tilespmem:$0x1E800] =	vst v63  }
0x3b: {  	_ =	swait.ge [sflag:s16], $0x1400  }
0x3c: {  	[sflag:s16] =	ssyncset.done $0x0  }
0x3d: {  	s0 =	sadd.s32 s6, s0;
	[sflag:s16] =	ssyncadd.s32 $0xFFFFEC00  }
0x3e: {  	[tilespmem:s17], [sflag:$0x5] =	stream.linear.gather [hbm4b:s0+s3], $0x1400, $0x38;
	[tilespmem:$0x1E800] =	vst v63  }
0x3f: {  	_ =	swait.ge [sflag:s16], $0x1400  }
0x40: {  	[sflag:s16] =	ssyncset.done $0x0  }
0x41: {  	[sflag:s16] =	ssyncadd.s32 $0xFFFFEC00  }
0x42: {  	[tilespmem:s15], [sflag:$0x1] =	stream.indirect.gather [hbm4b:s4+s18], $0x80, s3, s18, $0xb8;
	[tilespmem:$0x1E800] =	vst v63  }
0x43: {  	_ =	swait.ge [sflag:s19], $0x4000  }
0x44: {  	[sflag:s19] =	ssyncset.done $0x0  }
0x45: {  	[sflag:s19] =	ssyncadd.s32 $0xFFFFC000  }
0x46: {  	[spmem:s2] =	stream.indirect.scatter.add.f32 [tilespmem:s15], [sflag:$0x3], $0x80, s17, s18, $0xb8;
	[tilespmem:$0x1E800] =	vst v63  }
0x47: {  	_ = 	snop  }
0x48: {  	[tilespmem:s20], [sflag:$0x2] =	stream.indirect.gather [hbm4b:s4+s18], $0x80, s18, s18, $0xb8;
	[tilespmem:$0x1E800] =	vst v63  }
0x49: {  	_ =	swait.ge [sflag:s21], $0x4000  }
0x4a: {  	[sflag:s21] =	ssyncset.done $0x0  }
0x4b: {  	[sflag:s21] =	ssyncadd.s32 $0xFFFFC000  }
0x4c: {  	[spmem:s2] =	stream.indirect.scatter.add.f32 [tilespmem:s20], [sflag:$0x4], $0x80, s22, s18, $0xb8;
	[tilespmem:$0x1E800] =	vst v63  }
0x4d: {  	_ =	swait.ge [sflag:s23], $0x4000  }
0x4e: {  	[sflag:s23] =	ssyncset.done $0x0  }
0x4f: {  	[sflag:s23] =	ssyncadd.s32 $0xFFFFC000  }
0x50: {  	[tilespmem:s15], [sflag:$0x1] =	stream.indirect.gather [hbm4b:s4+s18], $0x80, s24, s18, $0xb8;
	[tilespmem:$0x1E800] =	vst v63  }
0x51: {  	_ =	swait.ge [sflag:s19], $0x4000  }
0x52: {  	[sflag:s19] =	ssyncset.done $0x0  }
0x53: {  	s1 =	simm.s32 $0x1500;
	[sflag:s19] =	ssyncadd.s32 $0xFFFFC000  }
0x54: {  	[spmem:s2] =	stream.indirect.scatter.add.f32 [tilespmem:s15], [sflag:$0x3], $0x80, s1, s18, $0xb8;
	[tilespmem:$0x1E800] =	vst v63  }
0x55: {  	_ =	swait.ge [sflag:s25], $0x4000  }
0x56: {  	[sflag:s25] =	ssyncset.done $0x0  }
0x57: {  	s1 =	simm.s32 $0x180;
	[sflag:s25] =	ssyncadd.s32 $0xFFFFC000  }
0x58: {  	[tilespmem:s20], [sflag:$0x2] =	stream.indirect.gather [hbm4b:s4+s18], $0x80, s1, s18, $0xb8;
	[tilespmem:$0x1E800] =	vst v63  }
0x59: {  	_ =	swait.ge [sflag:s21], $0x4000  }
0x5a: {  	[sflag:s21] =	ssyncset.done $0x0  }
0x5b: {  	s1 =	simm.s32 $0x1580;
	[sflag:s21] =	ssyncadd.s32 $0xFFFFC000  }
0x5c: {  	[spmem:s2] =	stream.indirect.scatter.add.f32 [tilespmem:s20], [sflag:$0x4], $0x80, s1, s18, $0xb8;
	[tilespmem:$0x1E800] =	vst v63  }
0x5d: {  	_ =	swait.ge [sflag:s23], $0x4000  }
0x5e: {  	p0 =	por p1, p1;
	[sflag:s23] =	ssyncset.done $0x0  }
0x5f: {  	s31 =	simm.s32 $0xFFFFBC00;
	s0 =	simm.s32 $0x200;
	[sflag:s23] =	ssyncadd.s32 $0xFFFFC000  }
.LBB2_5:
0x60: {  	[tilespmem:s15], [sflag:$0x1] =	stream.indirect.gather [hbm4b:s4+s18], $0x80, s0, s18, $0xb8;
	[tilespmem:$0x1E800] =	vst v63  }
0x61: {  	s0 =	smov.u32 s31  }
0x62: {  	p1 =	sne.s32 s31, $0xFFFFFC00;
	s31 =	sadd.s32 $0x400, s31;
	_ =	swait.ge [sflag:s19], $0x4000  }
0x63: {  	s0 =	sshra.s32 s0, $0x2;
	[sflag:s19] =	ssyncset.done $0x0  }
0x64: {  	s1 =	sadd.s32 $0x2700, s0;
	[sflag:s19] =	ssyncadd.s32 $0xFFFFC000  }
0x65: {  	[spmem:s2] =	stream.indirect.scatter.add.f32 [tilespmem:s15], [sflag:$0x3], $0x80, s1, s18, $0xb8;
	[tilespmem:$0x1E800] =	vst v63  }
0x66: {  	_ =	swait.ge [sflag:s25], $0x4000  }
0x67: {  	[sflag:s25] =	ssyncset.done $0x0  }
0x68: {  	s1 =	sadd.s32 $0x1380, s0;
	[sflag:s25] =	ssyncadd.s32 $0xFFFFC000  }
0x69: {  	[tilespmem:s20], [sflag:$0x2] =	stream.indirect.gather [hbm4b:s4+s18], $0x80, s1, s18, $0xb8;
	[tilespmem:$0x1E800] =	vst v63  }
0x6a: {  	_ =	swait.ge [sflag:s21], $0x4000  }
0x6b: {  	[sflag:s21] =	ssyncset.done $0x0  }
.Ltmp1:
0x6c: {  	s1 =	sadd.s32 $0x2780, s0;
	[sflag:s21] =	ssyncadd.s32 $0xFFFFC000;
	(pc) =	sbr.rel @p1 .LBB2_5-.Ltmp1, $4  }
0x6d: {  	[spmem:s2] =	stream.indirect.scatter.add.f32 [tilespmem:s20], [sflag:$0x4], $0x80, s1, s18, $0xb8;
	[tilespmem:$0x1E800] =	vst v63  }
0x6e: {  	_ =	swait.ge [sflag:s23], $0x4000  }
0x6f: {  	[sflag:s23] =	ssyncset.done $0x0  }
0x70: {  	s0 =	sadd.s32 $0x1400, s0;
	[sflag:s23] =	ssyncadd.s32 $0xFFFFC000  }
0x71: {  	[tilespmem:s15], [sflag:$0x1] =	stream.indirect.gather [hbm4b:s4+s18], $0x80, s0, s18, $0xb8;
	[tilespmem:$0x1E800] =	vst v63  }
0x72: {  	_ =	swait.ge [sflag:s19], $0x4000  }
0x73: {  	[sflag:s19] =	ssyncset.done $0x0  }
0x74: {  	[sflag:s19] =	ssyncadd.s32 $0xFFFFC000  }
0x75: {  	[spmem:s2] =	stream.indirect.scatter.add.f32 [tilespmem:s15], [sflag:$0x3], $0x80, s26, s18, $0xb8;
	[tilespmem:$0x1E800] =	vst v63  }
0x76: {  	_ =	swait.ge [sflag:s25], $0x4000  }
0x77: {  	[sflag:s25] =	ssyncset.done $0x0  }
0x78: {  	[sflag:s25] =	ssyncadd.s32 $0xFFFFC000  }
0x79: {  	[tilespmem:s20], [sflag:$0x2] =	stream.indirect.gather [hbm4b:s4+s18], $0x80, s28, s18, $0xb8;
	[tilespmem:$0x1E800] =	vst v63  }
0x7a: {  	_ =	swait.ge [sflag:s21], $0x4000  }
0x7b: {  	[sflag:s21] =	ssyncset.done $0x0  }
0x7c: {  	[sflag:s21] =	ssyncadd.s32 $0xFFFFC000  }
0x7d: {  	[spmem:s2] =	stream.indirect.scatter.add.f32 [tilespmem:s20], [sflag:$0x4], $0x80, s29, s18, $0xb8;
	[tilespmem:$0x1E800] =	vst v63  }
0x7e: {  	_ =	swait.ge [sflag:s23], $0x4000  }
.Ltmp2:
0x7f: {  	[sflag:s23] =	ssyncset.done $0x0;
	(pc) =	sbr.rel @p0 .LBB2_4-.Ltmp2, $4  }
0x80: {  	[sflag:s23] =	ssyncadd.s32 $0xFFFFC000  }
0x81: {  	_ =	swait.ge [sflag:s25], $0x4000  }
0x82: {  	[sflag:s25] =	ssyncset.done $0x0  }
0x83: {  	s0 =	simm.s32 $0x1400;
	p1 =	por $0x0, $0x0;
	[sflag:s25] =	ssyncadd.s32 $0xFFFFC000  }
0x84: {  	s0 =	stileid.u32;
	s30 =	sadd.s32 $0x1, s30  }
0x85: {  	[bflag:$0x0] =	sbarrier.arrive $0xFFFF;
	s0 =	sshll.u32 s0, $0x6;
	p0 =	sne.s32 s30, s14  }
.Ltmp3:
0x86: {  	s1 =	sshrl.u32 s7, $0x3;
	s0 =	sor.u32 $0x1C05, s0;
	(pc) =	sbr.rel @p0 .LBB2_1-.Ltmp3, $4  }
0x87: {  	[hbm:s13], [sflag:s0] =	dma.local [spmem:s1], $0x2800  }
0x88: {  	_ =	swait.ge [sflag:s16], $0x2800  }
0x89: {  	[sflag:s16] =	ssyncset.done $0x0  }
0x8a: {  	[sflag:s16] =	ssyncadd.s32 $0xFFFFD800  }
0x8b: {  	_ =	sfence.sel $0x180000  }
0x8c: {  	[bflag:$0x0] =	sbarrier.arrive $0xFFFF  }
0x8d: {  	_ =	strace $0x9000004A  }
0x8e: {  	s0 =	stileid.u32;
	[bflag:$0x2] =	sbarrier.arrive $0xFFFF  }
0x8f: {  	p0 =	sne.s32 s0, $0x0;
	s0 =	rddreg [dreg:$0x2]  }
0x90: {  	s0 =	sadd.s32 @!p0 $0x100000, s0  }
0x91: {  	[sflag:s0] =	ssyncadd.tile.s32 @!p0 $0x1;
	_ =	shalt  }
.Lfunc_end2:
_tile_overlayer_lowered:
.L_overlay_start_2:
0x92: {  	(tag) =	ssettag $0x2  }
0x93: {  	s0 =	rddreg [dreg:$0x0];
	s2 =	stileid.u32  }
0x94: {  	s1 =	rddreg [dreg:$0x1];
	p0 =	sne.s32 s2, $0x0  }
0x95: {  	s3 =	rddreg [dreg:$0x2];
	[bflag:$0x3] =	sbarrier.arrive $0xFFFF;
	s2 =	simm.s32 @!p0 $0x1C05  }
0x96: {  	[timem:s3], [sflag:s2] =	dma.local @!p0 [hbm:s0], s1  }
0x97: {  	s0 =	simm.s32 @!p0 $0x5  }
0x98: {  	_ =	swait.ge @!p0 [sflag:s0], s1  }
0x99: {  	s1 =	ssub.s32 @!p0 $0x0, s1;
	[sflag:s0] =	ssyncset.done @!p0 $0x0  }
0x9a: {  	[sflag:s0] =	ssyncadd.s32 @!p0 s1  }
0x9b: {  	[bflag:$0x3] =	sbarrier.arrive $0xFFFF  }
0x9c: {  	_ =	shalt  }

// kernel: kernel.14.cloned.1.call-start
scs
__scs_entry_jumppad:
0x0: {  	(pc) =	sbr.rel $0x88, $3  }
0x1: {  	(tag) =	ssettag $0x0;
	lr =	simm.s32 $0x1  }
0x2: {  	[smem:$0x3F99] =	sst lr;
	_ =	strace $0xD0000000  }
0x3: {  	_ = 	snop  }
0x4: {  	_ = 	snop  }
0x5: {  	_ = 	snop  }
0x6: {  	_ = 	snop  }
0x7: {  	_ = 	snop  }
__scs_overlays_trampoline_lowered:
0x8: {  	[smem:$0x3FA8] =	sst s0  }
0x9: {  	[smem:$0x3FA9] =	sst s1  }
0xa: {  	[smem:$0x3FAA] =	sst s2  }
0xb: {  	[smem:$0x3FAB] =	sst s3  }
0xc: {  	[smem:$0x3FAC] =	sst s4  }
0xd: {  	[smem:$0x3FAD] =	sst s5  }
0xe: {  	[smem:$0x3FAE] =	sst s6  }
0xf: {  	[smem:$0x3FAF] =	sst s7  }
0x10: {  	[smem:$0x3FB0] =	sst s8  }
0x11: {  	[smem:$0x3FB1] =	sst s9;
	s0 =	simm.s32 @!p0 $0x0  }
0x12: {  	s1 =	sld [smem:$0x3F97];
	s0 =	simm.s32 @p0 $0x1  }
0x13: {  	[smem:$0x3FB2] =	sst s0;
	s0 =	simm.s32 @!p1 $0x0  }
0x14: {  	s2 =	sld [smem:$0x3F96];
	s0 =	simm.s32 @p1 $0x1  }
0x15: {  	[smem:$0x3FB3] =	sst s0;
	s0 =	simm.s32 @!p2 $0x0  }
0x16: {  	s3 =	sld [smem:$0x3FDB];
	s0 =	simm.s32 @p2 $0x1  }
0x17: {  	s4 =	simm.s32 $0x1BF5;
	[smem:$0x3FB5] =	sst s0  }
0x18: {  	s0 =	sld [smem:$0x3F98];
	_ =	swait.ge [sflag:s4], $0x0  }
0x19: {  	s7 =	sld [smem:$0x3F99]  }
0x1a: {  	s8 =	sadd.s32 $0xFFFFE003, lr  }
0x1b: {  	s9 =	sadd.s32 $0xFFFFFEF7, lr;
	s5 =	simm.s32 $0xFFFFFFFF;
	p2 =	slt.u32 s8, $0xFFFFF086  }
0x1c: {  	p1 =	slt.u32 s9, $0xF7A;
	s5 =	simm.s32 @!p2 $0x0  }
0x1d: {  	s5 =	simm.s32 @p1 $0x1;
	p0 =	seq.s32 s7, s2  }
0x1e: {  	s7 =	smul.u32 @!p0 $0xF7A, s2;
	p2 =	seq.s32 @!p0 s5, $0x0  }
0x1f: {  	s9 =	smul.u32 $0xF7A, s1;
	s8 =	simm.s32 @!p0 $0x1BF5;
	p2 =	por !p2, p0  }
0x20: {  	[sflag:s8] =	ssyncset.s32 @!p0 $0xFFFFF086;
	s6 =	sadd.s32 @!p0 s3, s7;
	s7 =	simm.s32 @!p0 $0x108  }
0x21: {  	s3 =	sadd.s32 s3, s9;
	s6 =	sadd.s32 @!p0 $0x88, s6;
	s7 =	simm.s32 @p2 $0x1082  }
0x22: {  	[simem:s7], [sflag:s8] =	dma.local @!p0 [hbm:s6], $0xF7A  }
0x23: {  	s9 =	sor.u32 $0xD0000000, s2;
	s6 =	simm.s32 $0x108;
	_ =	swait.ge @!p0 [sflag:s8], $0x0  }
0x24: {  	s3 =	sadd.s32 $0x88, s3;
	s6 =	simm.s32 @!p1 $0x1082;
	[sflag:s4] =	ssyncset.s32 $0xFFFFF086  }
0x25: {  	[simem:s6], [sflag:s4] =	dma.local [hbm:s3], $0xF7A  }
0x26: {  	[smem:$0x3F99] =	sst s1;
	(tag) =	ssettag s2;
	_ =	strace s9  }
0x27: {  	s1 =	sld [smem:$0x3FA9]  }
0x28: {  	s2 =	sld [smem:$0x3FAA]  }
0x29: {  	s4 =	sld [smem:$0x3FAC]  }
0x2a: {  	p0 =	seq.s32 s5, $0x0;
	s5 =	sld [smem:$0x3FAD]  }
0x2b: {  	s6 =	sld [smem:$0x3FAE]  }
0x2c: {  	s7 =	sld [smem:$0x3FAF]  }
0x2d: {  	s3 =	simm.s32 $0x108;
	s8 =	sld [smem:$0x3FB0]  }
0x2e: {  	s3 =	simm.s32 @!p0 $0x1082;
	s9 =	sld [smem:$0x3FB1]  }
0x2f: {  	lr =	sadd.s32 s0, s3;
	s0 =	sld [smem:$0x3FA8]  }
0x30: {  	s3 =	sld [smem:$0x3FAB]  }
0x31: {  	[smem:$0x3FB4] =	sst s10  }
0x32: {  	s10 =	sld [smem:$0x3FB2];
	_ =	sdelay $0x3  }
0x33: {  	p0 =	seq.s32 s10, $0x1;
	s10 =	sld [smem:$0x3FB4];
	_ =	sdelay $0x3  }
0x34: {  	[smem:$0x3FB4] =	sst s10  }
0x35: {  	s10 =	sld [smem:$0x3FB3];
	_ =	sdelay $0x3  }
0x36: {  	p1 =	seq.s32 s10, $0x1;
	s10 =	sld [smem:$0x3FB4];
	_ =	sdelay $0x3  }
0x37: {  	[smem:$0x3FB4] =	sst s10  }
0x38: {  	s10 =	sld [smem:$0x3FB5]  }
0x39: {  	_ = 	snop;
	(pc) =	sbr.ind lr, $3  }
0x3a: {  	_ = 	snop  }
0x3b: {  	_ = 	snop  }
0x3c: {  	p2 =	seq.s32 s10, $0x1;
	s10 =	sld [smem:$0x3FB4]  }
0x3d: {  	_ =	shalt  }
0x3e: {  	_ =	shalt  }
0x3f: {  	_ =	shalt  }
0x40: {  	_ =	shalt  }
0x41: {  	_ =	shalt  }
0x42: {  	_ =	shalt  }
0x43: {  	_ =	shalt  }
0x44: {  	_ =	shalt  }
0x45: {  	_ =	shalt  }
0x46: {  	_ =	shalt  }
0x47: {  	_ =	shalt  }
0x48: {  	_ =	shalt  }
0x49: {  	_ =	shalt  }
0x4a: {  	_ =	shalt  }
0x4b: {  	_ =	shalt  }
0x4c: {  	_ =	shalt  }
0x4d: {  	_ =	shalt  }
0x4e: {  	_ =	shalt  }
0x4f: {  	_ =	shalt  }
0x50: {  	_ =	shalt  }
0x51: {  	_ =	shalt  }
0x52: {  	_ =	shalt  }
0x53: {  	_ =	shalt  }
0x54: {  	_ =	shalt  }
0x55: {  	_ =	shalt  }
0x56: {  	_ =	shalt  }
0x57: {  	_ =	shalt  }
0x58: {  	_ =	shalt  }
0x59: {  	_ =	shalt  }
0x5a: {  	_ =	shalt  }
0x5b: {  	_ =	shalt  }
0x5c: {  	_ =	shalt  }
0x5d: {  	_ =	shalt  }
0x5e: {  	_ =	shalt  }
0x5f: {  	_ =	shalt  }
0x60: {  	_ =	shalt  }
0x61: {  	_ =	shalt  }
0x62: {  	_ =	shalt  }
0x63: {  	_ =	shalt  }
0x64: {  	_ =	shalt  }
0x65: {  	_ =	shalt  }
0x66: {  	_ =	shalt  }
0x67: {  	_ =	shalt  }
0x68: {  	_ =	shalt  }
0x69: {  	_ =	shalt  }
0x6a: {  	_ =	shalt  }
0x6b: {  	_ =	shalt  }
0x6c: {  	_ =	shalt  }
0x6d: {  	_ =	shalt  }
0x6e: {  	_ =	shalt  }
0x6f: {  	_ =	shalt  }
0x70: {  	_ =	shalt  }
0x71: {  	_ =	shalt  }
0x72: {  	_ =	shalt  }
0x73: {  	_ =	shalt  }
0x74: {  	_ =	shalt  }
0x75: {  	_ =	shalt  }
0x76: {  	_ =	shalt  }
0x77: {  	_ =	shalt  }
0x78: {  	_ =	shalt  }
0x79: {  	_ =	shalt  }
0x7a: {  	_ =	shalt  }
0x7b: {  	_ =	shalt  }
0x7c: {  	_ =	shalt  }
0x7d: {  	_ =	shalt  }
0x7e: {  	_ =	shalt  }
0x7f: {  	_ =	shalt  }
0x80: {  	_ =	shalt  }
0x81: {  	_ =	shalt  }
0x82: {  	_ =	shalt  }
0x83: {  	_ =	shalt  }
0x84: {  	_ =	shalt  }
0x85: {  	_ =	shalt  }
0x86: {  	_ =	shalt  }
0x87: {  	_ =	shalt  }
.Lfunc_end0:
.L_simem_size_0:
called_computation.2_lowered:
.L_overlay_start_0:
0x88: {  	s2 =	sld [smem:$0x3FD9]  }
0x89: {  	s3 =	sld [smem:$0x3FFE];
	_ =	sdelay $0x1  }
0x8a: {  	s1 =	srdreg.scid  }
0x8b: {  	s0 =	sand.u32 $0x1, s1  }
0x8c: {  	s16 =	sshll.u32 s0, $0xA;
	s2 =	sadd.s32 s3, s2  }
0x8d: {  	s2 =	sadd.s32 s2, s16  }
0x8e: {  	[smem:$0x3FC0] =	sst s2  }
0x8f: {  	_ = 	snop  }
0x90: {  	(tm) =	ssettm $0x1  }
0x91: {  	s17 =	sld [smem:$0x3FFB];
	_ =	sdelay $0x3  }
0x92: {  	_ =	strace s17  }
0x93: {  	s2 =	sld [smem:$0x3FFC];
	_ =	sdelay $0x3  }
0x94: {  	_ =	strace s2  }
0x95: {  	s2 =	sld [smem:$0x3FFD];
	_ =	sdelay $0x3  }
0x96: {  	_ =	strace s2  }
0x97: {  	_ =	strace $0x8FFFFFFF  }
0x98: {  	s18 =	sld [smem:$0x3FDB];
	_ =	sdelay $0x1  }
0x99: {  	s19 =	simm.s32 $_scs_section_size  }
0x9a: {  	s4 =	simm.s32 $_size__tile_overlayer_lowered;
	s5 =	simm.s32 $_tile_overlayer_lowered  }
0x9b: {  	s22 =	simm.s32 $0x1BFF;
	s21 =	sshll.u32 s5, $0x1;
	s2 =	sadd.s32 s19, s18  }
0x9c: {  	s6 =	simm.s32 $0x0;
	s20 =	sshll.u32 s4, $0x1;
	s4 =	sadd.s32 s21, s2  }
0x9d: {  	[timem:s6], [sflag:s22] =	dma.local [hbm:s4], s20  }
0x9e: {  	_ =	swait.ge [sflag:s22], s20  }
0x9f: {  	s3 =	ssub.s32 $0x0, s20;
	[sflag:s22] =	ssyncset.done $0x0  }
0xa0: {  	[sflag:s22] =	ssyncadd.s32 s3;
	_ =	sdelay $0x1  }
0xa1: {  	s23 =	simm.s32 $0x1B8B  }
0xa2: {  	_ =	swait.ge [sflag:s23], $0x1  }
0xa3: {  	[sflag:s23] =	ssyncset.done $0x0  }
0xa4: {  	s25 =	simm.s32 $0x1B8E;
	s24 =	sld [smem:$0x3FFE];
	[sflag:s23] =	ssyncadd.s32 $0xFFFFFFFF  }
0xa5: {  	s26 =	simm.s32 $execute0_lowered;
	[smem:$0x3FD2] =	sst s25  }
0xa6: {  	s4 =	sshll.u32 s26, $0x1;
	_ =	strace $0x8000004C;
	[dreg:$0x1] =	wrdreg $0xFFFFFFFF  }
0xa7: {  	s28 =	simm.s32 $_size_execute0_lowered;
	s2 =	sadd.s32 s2, s4;
	[dreg:$0x0] =	wrdreg $0x0  }
0xa8: {  	s4 =	sshll.u32 s28, $0x1;
	[dreg:$0x2] =	wrdreg s2  }
0xa9: {  	[dreg:$0x3] =	wrdreg s4  }
0xaa: {  	[dreg:$0x4] =	wrdreg $0xC0  }
0xab: {  	_ =	task [dreg:s6], $0x5FFFF  }
0xac: {  	[dreg:$0x1] =	wrdreg $0xFFFFFFFF  }
0xad: {  	[dreg:$0x0] =	wrdreg $0x60  }
0xae: {  	[dreg:$0x2] =	wrdreg s24  }
0xaf: {  	[dreg:$0x3] =	wrdreg $0xA8000  }
0xb0: {  	[dreg:$0x4] =	wrdreg $0x9  }
0xb1: {  	_ =	task.clear_ibuf [dreg:s6], $0x5FFFF;
	_ =	strace $0x9000004C  }
0xb2: {  	s29 =	simm.s32 $0x9;
	_ =	strace $0x8000004E  }
0xb3: {  	_ =	swait.ge [sflag:s29], $0x1  }
0xb4: {  	[sflag:s29] =	ssyncadd.s32 $0xFFFFFFFF  }
0xb5: {  	_ =	strace $0x9000004E  }
0xb6: {  	_ =	sfence  }
0xb7: {  	s30 =	sld [smem:$0x0];
	_ =	sdelay $0x2  }
0xb8: {  	s31 =	sshll.u32 s1, $0xD;
	s1 =	sshrl.u32 s1, $0x2  }
0xb9: {  	s3 =	sand.u32 $0x4000, s31;
	s1 =	sadd.s32 s1, s30  }
0xba: {  	s0 =	sor.u32 s3, s0;
	s1 =	sshll.u32 s1, $0x11  }
0xbb: {  	s0 =	sor.u32 s1, s0  }
0xbc: {  	s0 =	sadd.s32 $0x8F2B, s0  }
0xbd: {  	[sflag:s0] =	ssyncadd.remote.s32 $0x1  }
0xbe: {  	_ =	sfence.sel $0xFFFF  }
0xbf: {  	[dreg:$0x0] =	wrdreg $0xFFFFFFFF;
	(pc) =	sbr.abs _section_cstart, $3  }
0xc0: {  	[dreg:$0x1] =	wrdreg $0xFFFFFFFF  }
0xc1: {  	_ =	task.clear_ibuf [dreg:s6], $0x2FFFF;
	_ =	strace $0x9FFFFFFF  }
0xc2: {  	(tm) =	ssettm $0x7FFFFFFF  }
0xc3: {  	_ =	shalt  }
tec
execute0_lowered:
.L_overlay_start_1:
0x0: {  	(tag) =	ssettag $0x1  }
0x1: {  	s6 =	rddreg [dreg:$0x0]  }
0x2: {  	s0 =	srdreg.scid;
	s2 =	rddreg [dreg:$0x1];
	s3 =	simm.s32 $0x0  }
0x3: {  	s14 =	simm.s32 $0x2800;
	s15 =	simm.s32 $0x5;
	s16 =	simm.s32 $0x1400  }
0x4: {  	s17 =	simm.s32 $0x80;
	s18 =	simm.s32 $0x1;
	s19 =	simm.s32 $0x6800  }
0x5: {  	s20 =	simm.s32 $0x2;
	s21 =	simm.s32 $0x1480;
	s22 =	simm.s32 $0x3  }
0x6: {  	s23 =	simm.s32 $0x100;
	s5 =	sand.u32 $0x1, s0;
	s0 =	stileid.u32  }
0x7: {  	s24 =	simm.s32 $0x4;
	s28 =	simm.s32 $0x2780;
	s8 =	smul.u32 $0x2800, s0  }
0x8: {  	s29 =	simm.s32 $0x0;
	[smem:$0x7FF] =	sst s3;
	s9 =	smul.u32 $0x28000, s5  }
0x9: {  	s4 =	sadd.s32 $0x8400, s6;
	s1 =	sshll.u32 s5, $0x4;
	s10 =	smul.u32 $0x50000, s0  }
0xa: {  	_ =	strace $0x8000004D;
	s26 =	ssub.s32 $0x2, s5;
	s1 =	sor.u32 s0, s1  }
0xb: {  	s31 =	sshrl.u32 s26, $0x1;
	s7 =	smul.u32 $0x280, s1;
	s25 =	sadd.s32 s8, s9  }
0xc: {  	s30 =	sshrl.u32 s10, $0x2;
	s13 =	ssub.s32 s26, s31;
	s26 =	simm.s32 $0x1380  }
0xd: {  	s12 =	sadd.s32 s25, s6;
	s5 =	sadd.s32 s30, s2;
	s13 =	smax.u32 s13, $0x1  }
0xe: {  	s25 =	simm.s32 $0x2700;
	s11 =	sadd.s32 s7, s6;
	s6 =	sadd.s32 $0x4000, s5  }
0xf: {  	s7 =	sadd.s32 $0x8000, s5;
	s8 =	sadd.s32 $0xC000, s5;
	s9 =	sadd.s32 $0x10000, s5  }
0x10: {  	v0 =	vimm.f32 $0.0e+00;
	s12 =	sadd.s32 $0x89600, s12;
	s10 =	sadd.s32 $0xE3600, s11;
	s11 =	sadd.s32 $0x3400, s11  }
.LBB2_1:
0x11: {  	s30 =	simm.s32 $0x0;
	s31 =	simm.s32 $0x200  }
.LBB2_2:
0x12: {  	p0 =	sne.s32 s31, $0xFE00;
	[tilespmem:s30+$0x2870] =	vst v0  }
0x13: {  	[tilespmem:s30+$0x2800] =	vst v0  }
0x14: {  	[tilespmem:s30+$0x2810] =	vst v0  }
.Ltmp0:
0x15: {  	[tilespmem:s30+$0x2820] =	vst v0;
	(pc) =	sbr.rel @p0 .LBB2_2-.Ltmp0, $4  }
0x16: {  	[tilespmem:s30+$0x2830] =	vst v0  }
0x17: {  	[tilespmem:s30+$0x2840] =	vst v0  }
0x18: {  	[tilespmem:s30+$0x2850] =	vst v0  }
0x19: {  	[tilespmem:s30+$0x2860] =	vst v0;
	s30 =	sshra.s32 s31, $0x2;
	s31 =	sadd.s32 $0x200, s31  }
0x1a: {  	[tilespmem:s30+$0x2870] =	vst v0  }
0x1b: {  	[tilespmem:s30+$0x2800] =	vst v0  }
0x1c: {  	[tilespmem:s30+$0x2810] =	vst v0  }
0x1d: {  	[tilespmem:s30+$0x2820] =	vst v0  }
0x1e: {  	[tilespmem:s30+$0x2830] =	vst v0  }
0x1f: {  	[tilespmem:s30+$0x2840] =	vst v0  }
0x20: {  	[tilespmem:s30+$0x2850] =	vst v0  }
0x21: {  	[tilespmem:s30+$0x2860] =	vst v0  }
0x22: {  	[spmem:s5] =	stream.linear.scatter [tilespmem:s14], [sflag:$0x5], $0x4000, $0x38;
	[tilespmem:$0x1E800] =	vst v63  }
0x23: {  	_ =	swait.ge [sflag:s15], $0x4000  }
0x24: {  	[sflag:s15] =	ssyncset.done $0x0  }
0x25: {  	[sflag:s15] =	ssyncadd.s32 $0xFFFFC000  }
0x26: {  	[spmem:s6] =	stream.linear.scatter [tilespmem:s14], [sflag:$0x5], $0x4000, $0x38;
	[tilespmem:$0x1E800] =	vst v63  }
0x27: {  	_ =	swait.ge [sflag:s15], $0x4000  }
0x28: {  	[sflag:s15] =	ssyncset.done $0x0  }
0x29: {  	[sflag:s15] =	ssyncadd.s32 $0xFFFFC000  }
0x2a: {  	[spmem:s7] =	stream.linear.scatter [tilespmem:s14], [sflag:$0x5], $0x4000, $0x38;
	[tilespmem:$0x1E800] =	vst v63  }
0x2b: {  	_ =	swait.ge [sflag:s15], $0x4000  }
0x2c: {  	[sflag:s15] =	ssyncset.done $0x0  }
0x2d: {  	[sflag:s15] =	ssyncadd.s32 $0xFFFFC000  }
0x2e: {  	[spmem:s8] =	stream.linear.scatter [tilespmem:s14], [sflag:$0x5], $0x4000, $0x38;
	[tilespmem:$0x1E800] =	vst v63  }
0x2f: {  	_ =	swait.ge [sflag:s15], $0x4000  }
0x30: {  	[sflag:s15] =	ssyncset.done $0x0  }
0x31: {  	[sflag:s15] =	ssyncadd.s32 $0xFFFFC000  }
0x32: {  	[spmem:s9] =	stream.linear.scatter [tilespmem:s14], [sflag:$0x5], $0x4000, $0x38;
	[tilespmem:$0x1E800] =	vst v63  }
0x33: {  	_ =	swait.ge [sflag:s15], $0x4000  }
0x34: {  	[sflag:s15] =	ssyncset.done $0x0  }
0x35: {  	[sflag:s15] =	ssyncadd.s32 $0xFFFFC000  }
0x36: {  	[bflag:$0x0] =	sbarrier.arrive $0xFFFF  }
0x37: {  	[tilespmem:s3], [sflag:$0x5] =	stream.linear.gather [hbm4b:s10+s3], $0x1400, $0x38;
	[tilespmem:$0x1E800] =	vst v63  }
0x38: {  	_ =	swait.ge [sflag:s15], $0x1400  }
0x39: {  	[sflag:s15] =	ssyncset.done $0x0  }
0x3a: {  	[sflag:s15] =	ssyncadd.s32 $0xFFFFEC00  }
0x3b: {  	[tilespmem:s16], [sflag:$0x5] =	stream.linear.gather [hbm4b:s11+s3], $0x1400, $0x38;
	[tilespmem:$0x1E800] =	vst v63  }
0x3c: {  	_ =	swait.ge [sflag:s15], $0x1400  }
0x3d: {  	[sflag:s15] =	ssyncset.done $0x0  }
0x3e: {  	[sflag:s15] =	ssyncadd.s32 $0xFFFFEC00  }
0x3f: {  	[tilespmem:s14], [sflag:$0x1] =	stream.indirect.gather [hbm4b:s4+s17], $0x80, s3, s17, $0xb8;
	[tilespmem:$0x1E800] =	vst v63  }
0x40: {  	_ =	swait.ge [sflag:s18], $0x4000  }
0x41: {  	[sflag:s18] =	ssyncset.done $0x0  }
0x42: {  	[sflag:s18] =	ssyncadd.s32 $0xFFFFC000  }
0x43: {  	[spmem:s2] =	stream.indirect.scatter.add.f32 [tilespmem:s14], [sflag:$0x3], $0x80, s16, s17, $0xb8;
	[tilespmem:$0x1E800] =	vst v63  }
0x44: {  	_ = 	snop  }
0x45: {  	[tilespmem:s19], [sflag:$0x2] =	stream.indirect.gather [hbm4b:s4+s17], $0x80, s17, s17, $0xb8;
	[tilespmem:$0x1E800] =	vst v63  }
0x46: {  	_ =	swait.ge [sflag:s20], $0x4000  }
0x47: {  	[sflag:s20] =	ssyncset.done $0x0  }
0x48: {  	[sflag:s20] =	ssyncadd.s32 $0xFFFFC000  }
0x49: {  	[spmem:s2] =	stream.indirect.scatter.add.f32 [tilespmem:s19], [sflag:$0x4], $0x80, s21, s17, $0xb8;
	[tilespmem:$0x1E800] =	vst v63  }
0x4a: {  	_ =	swait.ge [sflag:s22], $0x4000  }
0x4b: {  	[sflag:s22] =	ssyncset.done $0x0  }
0x4c: {  	[sflag:s22] =	ssyncadd.s32 $0xFFFFC000  }
0x4d: {  	[tilespmem:s14], [sflag:$0x1] =	stream.indirect.gather [hbm4b:s4+s17], $0x80, s23, s17, $0xb8;
	[tilespmem:$0x1E800] =	vst v63  }
0x4e: {  	_ =	swait.ge [sflag:s18], $0x4000  }
0x4f: {  	[sflag:s18] =	ssyncset.done $0x0  }
0x50: {  	s30 =	simm.s32 $0x1500;
	[sflag:s18] =	ssyncadd.s32 $0xFFFFC000  }
0x51: {  	[spmem:s2] =	stream.indirect.scatter.add.f32 [tilespmem:s14], [sflag:$0x3], $0x80, s30, s17, $0xb8;
	[tilespmem:$0x1E800] =	vst v63  }
0x52: {  	_ =	swait.ge [sflag:s24], $0x4000  }
0x53: {  	[sflag:s24] =	ssyncset.done $0x0  }
0x54: {  	s30 =	simm.s32 $0x180;
	[sflag:s24] =	ssyncadd.s32 $0xFFFFC000  }
0x55: {  	[tilespmem:s19], [sflag:$0x2] =	stream.indirect.gather [hbm4b:s4+s17], $0x80, s30, s17, $0xb8;
	[tilespmem:$0x1E800] =	vst v63  }
0x56: {  	_ =	swait.ge [sflag:s20], $0x4000  }
0x57: {  	[sflag:s20] =	ssyncset.done $0x0  }
0x58: {  	s30 =	simm.s32 $0x1580;
	[sflag:s20] =	ssyncadd.s32 $0xFFFFC000  }
0x59: {  	[spmem:s2] =	stream.indirect.scatter.add.f32 [tilespmem:s19], [sflag:$0x4], $0x80, s30, s17, $0xb8;
	[tilespmem:$0x1E800] =	vst v63  }
0x5a: {  	_ =	swait.ge [sflag:s22], $0x4000  }
0x5b: {  	[sflag:s22] =	ssyncset.done $0x0  }
0x5c: {  	s31 =	simm.s32 $0x200;
	s30 =	simm.s32 $0xFFFFBC00;
	[sflag:s22] =	ssyncadd.s32 $0xFFFFC000  }
.LBB2_4:
0x5d: {  	[tilespmem:s14], [sflag:$0x1] =	stream.indirect.gather [hbm4b:s4+s17], $0x80, s31, s17, $0xb8;
	[tilespmem:$0x1E800] =	vst v63  }
0x5e: {  	s31 =	smov.u32 s30  }
0x5f: {  	p0 =	sne.s32 s30, $0xFFFFFC00;
	s30 =	sadd.s32 $0x400, s30;
	_ =	swait.ge [sflag:s18], $0x4000  }
0x60: {  	s31 =	sshra.s32 s31, $0x2;
	[sflag:s18] =	ssyncset.done $0x0  }
0x61: {  	s1 =	sadd.s32 $0x2700, s31;
	[sflag:s18] =	ssyncadd.s32 $0xFFFFC000  }
0x62: {  	[spmem:s2] =	stream.indirect.scatter.add.f32 [tilespmem:s14], [sflag:$0x3], $0x80, s1, s17, $0xb8;
	[tilespmem:$0x1E800] =	vst v63  }
0x63: {  	_ =	swait.ge [sflag:s24], $0x4000  }
0x64: {  	[sflag:s24] =	ssyncset.done $0x0  }
0x65: {  	s1 =	sadd.s32 $0x1380, s31;
	[sflag:s24] =	ssyncadd.s32 $0xFFFFC000  }
0x66: {  	[tilespmem:s19], [sflag:$0x2] =	stream.indirect.gather [hbm4b:s4+s17], $0x80, s1, s17, $0xb8;
	[tilespmem:$0x1E800] =	vst v63  }
0x67: {  	_ =	swait.ge [sflag:s20], $0x4000  }
0x68: {  	[sflag:s20] =	ssyncset.done $0x0  }
.Ltmp1:
0x69: {  	s1 =	sadd.s32 $0x2780, s31;
	[sflag:s20] =	ssyncadd.s32 $0xFFFFC000;
	(pc) =	sbr.rel @p0 .LBB2_4-.Ltmp1, $4  }
0x6a: {  	[spmem:s2] =	stream.indirect.scatter.add.f32 [tilespmem:s19], [sflag:$0x4], $0x80, s1, s17, $0xb8;
	[tilespmem:$0x1E800] =	vst v63  }
0x6b: {  	_ =	swait.ge [sflag:s22], $0x4000  }
0x6c: {  	[sflag:s22] =	ssyncset.done $0x0  }
0x6d: {  	s31 =	sadd.s32 $0x1400, s31;
	[sflag:s22] =	ssyncadd.s32 $0xFFFFC000  }
0x6e: {  	[tilespmem:s14], [sflag:$0x1] =	stream.indirect.gather [hbm4b:s4+s17], $0x80, s31, s17, $0xb8;
	[tilespmem:$0x1E800] =	vst v63  }
0x6f: {  	_ =	swait.ge [sflag:s18], $0x4000  }
0x70: {  	[sflag:s18] =	ssyncset.done $0x0  }
0x71: {  	[sflag:s18] =	ssyncadd.s32 $0xFFFFC000  }
0x72: {  	[spmem:s2] =	stream.indirect.scatter.add.f32 [tilespmem:s14], [sflag:$0x3], $0x80, s25, s17, $0xb8;
	[tilespmem:$0x1E800] =	vst v63  }
0x73: {  	_ =	swait.ge [sflag:s24], $0x4000  }
0x74: {  	[sflag:s24] =	ssyncset.done $0x0  }
0x75: {  	[sflag:s24] =	ssyncadd.s32 $0xFFFFC000  }
0x76: {  	[tilespmem:s19], [sflag:$0x2] =	stream.indirect.gather [hbm4b:s4+s17], $0x80, s26, s17, $0xb8;
	[tilespmem:$0x1E800] =	vst v63  }
0x77: {  	_ =	swait.ge [sflag:s20], $0x4000  }
0x78: {  	[sflag:s20] =	ssyncset.done $0x0  }
0x79: {  	[sflag:s20] =	ssyncadd.s32 $0xFFFFC000  }
0x7a: {  	[spmem:s2] =	stream.indirect.scatter.add.f32 [tilespmem:s19], [sflag:$0x4], $0x80, s28, s17, $0xb8;
	[tilespmem:$0x1E800] =	vst v63  }
0x7b: {  	_ =	swait.ge [sflag:s22], $0x4000  }
0x7c: {  	[sflag:s22] =	ssyncset.done $0x0  }
0x7d: {  	[sflag:s22] =	ssyncadd.s32 $0xFFFFC000  }
0x7e: {  	_ =	swait.ge [sflag:s24], $0x4000  }
0x7f: {  	s1 =	sshll.u32 s0, $0x6;
	s29 =	sadd.s32 $0x1, s29;
	[sflag:s24] =	ssyncset.done $0x0  }
0x80: {  	s30 =	sshrl.u32 s5, $0x3;
	p0 =	sne.s32 s29, s13;
	[sflag:s24] =	ssyncadd.s32 $0xFFFFC000  }
.Ltmp2:
0x81: {  	s1 =	sor.u32 $0x1C05, s1;
	[bflag:$0x0] =	sbarrier.arrive $0xFFFF;
	(pc) =	sbr.rel @p0 .LBB2_1-.Ltmp2, $4  }
0x82: {  	[hbm:s12], [sflag:s1] =	dma.local [spmem:s30], $0x2800  }
0x83: {  	_ =	swait.ge [sflag:s15], $0x2800  }
0x84: {  	[sflag:s15] =	ssyncset.done $0x0  }
0x85: {  	[sflag:s15] =	ssyncadd.s32 $0xFFFFD800  }
0x86: {  	_ =	sfence.sel $0x180000  }
0x87: {  	[bflag:$0x0] =	sbarrier.arrive $0xFFFF  }
0x88: {  	_ =	strace $0x9000004D  }
0x89: {  	[bflag:$0x2] =	sbarrier.arrive $0xFFFF  }
0x8a: {  	p0 =	sne.s32 s0, $0x0;
	s0 =	rddreg [dreg:$0x2]  }
0x8b: {  	s0 =	sadd.s32 @!p0 $0x100000, s0  }
0x8c: {  	[sflag:s0] =	ssyncadd.tile.s32 @!p0 $0x1;
	_ =	shalt  }
.Lfunc_end2:
_tile_overlayer_lowered:
.L_overlay_start_2:
0x8d: {  	(tag) =	ssettag $0x2  }
0x8e: {  	s0 =	rddreg [dreg:$0x0];
	s2 =	stileid.u32  }
0x8f: {  	s1 =	rddreg [dreg:$0x1];
	p0 =	sne.s32 s2, $0x0  }
0x90: {  	s3 =	rddreg [dreg:$0x2];
	[bflag:$0x3] =	sbarrier.arrive $0xFFFF;
	s2 =	simm.s32 @!p0 $0x1C05  }
0x91: {  	[timem:s3], [sflag:s2] =	dma.local @!p0 [hbm:s0], s1  }
0x92: {  	s0 =	simm.s32 @!p0 $0x5  }
0x93: {  	_ =	swait.ge @!p0 [sflag:s0], s1  }
0x94: {  	s1 =	ssub.s32 @!p0 $0x0, s1;
	[sflag:s0] =	ssyncset.done @!p0 $0x0  }
0x95: {  	[sflag:s0] =	ssyncadd.s32 @!p0 s1  }
0x96: {  	[bflag:$0x3] =	sbarrier.arrive $0xFFFF  }
0x97: {  	_ =	shalt  }

// kernel: kernel.8.cloned.1.call-start
scs
__scs_entry_jumppad:
0x0: {  	(pc) =	sbr.rel $0x88, $3  }
0x1: {  	(tag) =	ssettag $0x0;
	lr =	simm.s32 $0x1  }
0x2: {  	[smem:$0x3F99] =	sst lr;
	_ =	strace $0xD0000000  }
0x3: {  	_ = 	snop  }
0x4: {  	_ = 	snop  }
0x5: {  	_ = 	snop  }
0x6: {  	_ = 	snop  }
0x7: {  	_ = 	snop  }
__scs_overlays_trampoline_lowered:
0x8: {  	[smem:$0x3FA8] =	sst s0  }
0x9: {  	[smem:$0x3FA9] =	sst s1  }
0xa: {  	[smem:$0x3FAA] =	sst s2  }
0xb: {  	[smem:$0x3FAB] =	sst s3  }
0xc: {  	[smem:$0x3FAC] =	sst s4  }
0xd: {  	[smem:$0x3FAD] =	sst s5  }
0xe: {  	[smem:$0x3FAE] =	sst s6  }
0xf: {  	[smem:$0x3FAF] =	sst s7  }
0x10: {  	[smem:$0x3FB0] =	sst s8  }
0x11: {  	[smem:$0x3FB1] =	sst s9;
	s0 =	simm.s32 @!p0 $0x0  }
0x12: {  	s1 =	sld [smem:$0x3F97];
	s0 =	simm.s32 @p0 $0x1  }
0x13: {  	[smem:$0x3FB2] =	sst s0;
	s0 =	simm.s32 @!p1 $0x0  }
0x14: {  	s2 =	sld [smem:$0x3F96];
	s0 =	simm.s32 @p1 $0x1  }
0x15: {  	[smem:$0x3FB3] =	sst s0;
	s0 =	simm.s32 @!p2 $0x0  }
0x16: {  	s3 =	sld [smem:$0x3FDB];
	s0 =	simm.s32 @p2 $0x1  }
0x17: {  	s4 =	simm.s32 $0x1BF5;
	[smem:$0x3FB5] =	sst s0  }
0x18: {  	s0 =	sld [smem:$0x3F98];
	_ =	swait.ge [sflag:s4], $0x0  }
0x19: {  	s7 =	sld [smem:$0x3F99]  }
0x1a: {  	s8 =	sadd.s32 $0xFFFFE003, lr  }
0x1b: {  	s9 =	sadd.s32 $0xFFFFFEF7, lr;
	s5 =	simm.s32 $0xFFFFFFFF;
	p2 =	slt.u32 s8, $0xFFFFF086  }
0x1c: {  	p1 =	slt.u32 s9, $0xF7A;
	s5 =	simm.s32 @!p2 $0x0  }
0x1d: {  	s5 =	simm.s32 @p1 $0x1;
	p0 =	seq.s32 s7, s2  }
0x1e: {  	s7 =	smul.u32 @!p0 $0xF7A, s2;
	p2 =	seq.s32 @!p0 s5, $0x0  }
0x1f: {  	s9 =	smul.u32 $0xF7A, s1;
	s8 =	simm.s32 @!p0 $0x1BF5;
	p2 =	por !p2, p0  }
0x20: {  	[sflag:s8] =	ssyncset.s32 @!p0 $0xFFFFF086;
	s6 =	sadd.s32 @!p0 s3, s7;
	s7 =	simm.s32 @!p0 $0x108  }
0x21: {  	s3 =	sadd.s32 s3, s9;
	s6 =	sadd.s32 @!p0 $0x88, s6;
	s7 =	simm.s32 @p2 $0x1082  }
0x22: {  	[simem:s7], [sflag:s8] =	dma.local @!p0 [hbm:s6], $0xF7A  }
0x23: {  	s9 =	sor.u32 $0xD0000000, s2;
	s6 =	simm.s32 $0x108;
	_ =	swait.ge @!p0 [sflag:s8], $0x0  }
0x24: {  	s3 =	sadd.s32 $0x88, s3;
	s6 =	simm.s32 @!p1 $0x1082;
	[sflag:s4] =	ssyncset.s32 $0xFFFFF086  }
0x25: {  	[simem:s6], [sflag:s4] =	dma.local [hbm:s3], $0xF7A  }
0x26: {  	[smem:$0x3F99] =	sst s1;
	(tag) =	ssettag s2;
	_ =	strace s9  }
0x27: {  	s1 =	sld [smem:$0x3FA9]  }
0x28: {  	s2 =	sld [smem:$0x3FAA]  }
0x29: {  	s4 =	sld [smem:$0x3FAC]  }
0x2a: {  	p0 =	seq.s32 s5, $0x0;
	s5 =	sld [smem:$0x3FAD]  }
0x2b: {  	s6 =	sld [smem:$0x3FAE]  }
0x2c: {  	s7 =	sld [smem:$0x3FAF]  }
0x2d: {  	s3 =	simm.s32 $0x108;
	s8 =	sld [smem:$0x3FB0]  }
0x2e: {  	s3 =	simm.s32 @!p0 $0x1082;
	s9 =	sld [smem:$0x3FB1]  }
0x2f: {  	lr =	sadd.s32 s0, s3;
	s0 =	sld [smem:$0x3FA8]  }
0x30: {  	s3 =	sld [smem:$0x3FAB]  }
0x31: {  	[smem:$0x3FB4] =	sst s10  }
0x32: {  	s10 =	sld [smem:$0x3FB2];
	_ =	sdelay $0x3  }
0x33: {  	p0 =	seq.s32 s10, $0x1;
	s10 =	sld [smem:$0x3FB4];
	_ =	sdelay $0x3  }
0x34: {  	[smem:$0x3FB4] =	sst s10  }
0x35: {  	s10 =	sld [smem:$0x3FB3];
	_ =	sdelay $0x3  }
0x36: {  	p1 =	seq.s32 s10, $0x1;
	s10 =	sld [smem:$0x3FB4];
	_ =	sdelay $0x3  }
0x37: {  	[smem:$0x3FB4] =	sst s10  }
0x38: {  	s10 =	sld [smem:$0x3FB5]  }
0x39: {  	_ = 	snop;
	(pc) =	sbr.ind lr, $3  }
0x3a: {  	_ = 	snop  }
0x3b: {  	_ = 	snop  }
0x3c: {  	p2 =	seq.s32 s10, $0x1;
	s10 =	sld [smem:$0x3FB4]  }
0x3d: {  	_ =	shalt  }
0x3e: {  	_ =	shalt  }
0x3f: {  	_ =	shalt  }
0x40: {  	_ =	shalt  }
0x41: {  	_ =	shalt  }
0x42: {  	_ =	shalt  }
0x43: {  	_ =	shalt  }
0x44: {  	_ =	shalt  }
0x45: {  	_ =	shalt  }
0x46: {  	_ =	shalt  }
0x47: {  	_ =	shalt  }
0x48: {  	_ =	shalt  }
0x49: {  	_ =	shalt  }
0x4a: {  	_ =	shalt  }
0x4b: {  	_ =	shalt  }
0x4c: {  	_ =	shalt  }
0x4d: {  	_ =	shalt  }
0x4e: {  	_ =	shalt  }
0x4f: {  	_ =	shalt  }
0x50: {  	_ =	shalt  }
0x51: {  	_ =	shalt  }
0x52: {  	_ =	shalt  }
0x53: {  	_ =	shalt  }
0x54: {  	_ =	shalt  }
0x55: {  	_ =	shalt  }
0x56: {  	_ =	shalt  }
0x57: {  	_ =	shalt  }
0x58: {  	_ =	shalt  }
0x59: {  	_ =	shalt  }
0x5a: {  	_ =	shalt  }
0x5b: {  	_ =	shalt  }
0x5c: {  	_ =	shalt  }
0x5d: {  	_ =	shalt  }
0x5e: {  	_ =	shalt  }
0x5f: {  	_ =	shalt  }
0x60: {  	_ =	shalt  }
0x61: {  	_ =	shalt  }
0x62: {  	_ =	shalt  }
0x63: {  	_ =	shalt  }
0x64: {  	_ =	shalt  }
0x65: {  	_ =	shalt  }
0x66: {  	_ =	shalt  }
0x67: {  	_ =	shalt  }
0x68: {  	_ =	shalt  }
0x69: {  	_ =	shalt  }
0x6a: {  	_ =	shalt  }
0x6b: {  	_ =	shalt  }
0x6c: {  	_ =	shalt  }
0x6d: {  	_ =	shalt  }
0x6e: {  	_ =	shalt  }
0x6f: {  	_ =	shalt  }
0x70: {  	_ =	shalt  }
0x71: {  	_ =	shalt  }
0x72: {  	_ =	shalt  }
0x73: {  	_ =	shalt  }
0x74: {  	_ =	shalt  }
0x75: {  	_ =	shalt  }
0x76: {  	_ =	shalt  }
0x77: {  	_ =	shalt  }
0x78: {  	_ =	shalt  }
0x79: {  	_ =	shalt  }
0x7a: {  	_ =	shalt  }
0x7b: {  	_ =	shalt  }
0x7c: {  	_ =	shalt  }
0x7d: {  	_ =	shalt  }
0x7e: {  	_ =	shalt  }
0x7f: {  	_ =	shalt  }
0x80: {  	_ =	shalt  }
0x81: {  	_ =	shalt  }
0x82: {  	_ =	shalt  }
0x83: {  	_ =	shalt  }
0x84: {  	_ =	shalt  }
0x85: {  	_ =	shalt  }
0x86: {  	_ =	shalt  }
0x87: {  	_ =	shalt  }
.Lfunc_end0:
.L_simem_size_0:
called_computation_lowered:
.L_overlay_start_0:
0x88: {  	s2 =	sld [smem:$0x3FD9]  }
0x89: {  	s3 =	sld [smem:$0x3FFE];
	_ =	sdelay $0x1  }
0x8a: {  	s1 =	srdreg.scid  }
0x8b: {  	s0 =	sand.u32 $0x1, s1  }
0x8c: {  	s16 =	sshll.u32 s0, $0xA;
	s2 =	sadd.s32 s3, s2  }
0x8d: {  	s2 =	sadd.s32 s2, s16  }
0x8e: {  	[smem:$0x3FC0] =	sst s2  }
0x8f: {  	_ = 	snop  }
0x90: {  	(tm) =	ssettm $0x1  }
0x91: {  	s17 =	sld [smem:$0x3FFB];
	_ =	sdelay $0x3  }
0x92: {  	_ =	strace s17  }
0x93: {  	s2 =	sld [smem:$0x3FFC];
	_ =	sdelay $0x3  }
0x94: {  	_ =	strace s2  }
0x95: {  	s2 =	sld [smem:$0x3FFD];
	_ =	sdelay $0x3  }
0x96: {  	_ =	strace s2  }
0x97: {  	_ =	strace $0x8FFFFFFF  }
0x98: {  	s18 =	sld [smem:$0x3FDB];
	_ =	sdelay $0x1  }
0x99: {  	s19 =	simm.s32 $_scs_section_size  }
0x9a: {  	s4 =	simm.s32 $_size__tile_overlayer_lowered;
	s5 =	simm.s32 $_tile_overlayer_lowered  }
0x9b: {  	s22 =	simm.s32 $0x1BFF;
	s21 =	sshll.u32 s5, $0x1;
	s2 =	sadd.s32 s19, s18  }
0x9c: {  	s6 =	simm.s32 $0x0;
	s20 =	sshll.u32 s4, $0x1;
	s4 =	sadd.s32 s21, s2  }
0x9d: {  	[timem:s6], [sflag:s22] =	dma.local [hbm:s4], s20  }
0x9e: {  	_ =	swait.ge [sflag:s22], s20  }
0x9f: {  	s3 =	ssub.s32 $0x0, s20;
	[sflag:s22] =	ssyncset.done $0x0  }
0xa0: {  	[sflag:s22] =	ssyncadd.s32 s3;
	_ =	sdelay $0x1  }
0xa1: {  	s23 =	simm.s32 $0x1B8B  }
0xa2: {  	_ =	swait.ge [sflag:s23], $0x1  }
0xa3: {  	[sflag:s23] =	ssyncset.done $0x0  }
0xa4: {  	s25 =	simm.s32 $0x1B8E;
	s24 =	sld [smem:$0x3FFE];
	[sflag:s23] =	ssyncadd.s32 $0xFFFFFFFF  }
0xa5: {  	s26 =	simm.s32 $execute0_lowered;
	[smem:$0x3FD2] =	sst s25  }
0xa6: {  	s4 =	sshll.u32 s26, $0x1;
	_ =	strace $0x80000046;
	[dreg:$0x1] =	wrdreg $0xFFFFFFFF  }
0xa7: {  	s28 =	simm.s32 $_size_execute0_lowered;
	s2 =	sadd.s32 s2, s4;
	[dreg:$0x0] =	wrdreg $0x0  }
0xa8: {  	s4 =	sshll.u32 s28, $0x1;
	[dreg:$0x2] =	wrdreg s2  }
0xa9: {  	[dreg:$0x3] =	wrdreg s4  }
0xaa: {  	[dreg:$0x4] =	wrdreg $0xC0  }
0xab: {  	_ =	task [dreg:s6], $0x5FFFF  }
0xac: {  	[dreg:$0x1] =	wrdreg $0xFFFFFFFF  }
0xad: {  	[dreg:$0x0] =	wrdreg $0x60  }
0xae: {  	[dreg:$0x2] =	wrdreg s24  }
0xaf: {  	[dreg:$0x3] =	wrdreg $0x54000  }
0xb0: {  	[dreg:$0x4] =	wrdreg $0x9  }
0xb1: {  	_ =	task.clear_ibuf [dreg:s6], $0x5FFFF;
	_ =	strace $0x90000046  }
0xb2: {  	s29 =	simm.s32 $0x9;
	_ =	strace $0x80000048  }
0xb3: {  	_ =	swait.ge [sflag:s29], $0x1  }
0xb4: {  	[sflag:s29] =	ssyncadd.s32 $0xFFFFFFFF  }
0xb5: {  	_ =	strace $0x90000048  }
0xb6: {  	_ =	sfence  }
0xb7: {  	s30 =	sld [smem:$0x0];
	_ =	sdelay $0x2  }
0xb8: {  	s31 =	sshll.u32 s1, $0xD;
	s1 =	sshrl.u32 s1, $0x2  }
0xb9: {  	s3 =	sand.u32 $0x4000, s31;
	s1 =	sadd.s32 s1, s30  }
0xba: {  	s0 =	sor.u32 s3, s0;
	s1 =	sshll.u32 s1, $0x11  }
0xbb: {  	s0 =	sor.u32 s1, s0  }
0xbc: {  	s0 =	sadd.s32 $0x8F2B, s0  }
0xbd: {  	[sflag:s0] =	ssyncadd.remote.s32 $0x1  }
0xbe: {  	_ =	sfence.sel $0xFFFF  }
0xbf: {  	[dreg:$0x0] =	wrdreg $0xFFFFFFFF;
	(pc) =	sbr.abs _section_cstart, $3  }
0xc0: {  	[dreg:$0x1] =	wrdreg $0xFFFFFFFF  }
0xc1: {  	_ =	task.clear_ibuf [dreg:s6], $0x2FFFF;
	_ =	strace $0x9FFFFFFF  }
0xc2: {  	(tm) =	ssettm $0x7FFFFFFF  }
0xc3: {  	_ =	shalt  }
tec
execute0_lowered:
.L_overlay_start_1:
0x0: {  	(tag) =	ssettag $0x1  }
0x1: {  	s5 =	rddreg [dreg:$0x0]  }
0x2: {  	s0 =	srdreg.scid;
	s2 =	rddreg [dreg:$0x1]  }
0x3: {  	s3 =	simm.s32 $0x0;
	s4 =	sand.u32 $0x1, s0;
	s0 =	stileid.u32  }
0x4: {  	s13 =	simm.s32 $0x1;
	s14 =	simm.s32 $0x80;
	s7 =	smul.u32 $0x2800, s0  }
0x5: {  	[smem:$0x7FF] =	sst s3;
	s1 =	sshll.u32 s4, $0x4;
	s8 =	smul.u32 $0x50000, s0  }
0x6: {  	s9 =	smul.u32 $0x28000, s4;
	s29 =	ssub.s32 $0x2, s4;
	s15 =	sshll.u32 s0, $0x6  }
0x7: {  	s1 =	sor.u32 s0, s1;
	s31 =	sshrl.u32 s29, $0x1;
	s15 =	sor.u32 $0x1C01, s15  }
0x8: {  	s6 =	smul.u32 $0x280, s1;
	s1 =	rddreg [dreg:$0x2];
	_ =	strace $0x80000047  }
0x9: {  	s30 =	sshrl.u32 s8, $0x2;
	s7 =	sadd.s32 s7, s9;
	s12 =	ssub.s32 s29, s31  }
0xa: {  	s4 =	sadd.s32 s30, s2;
	s11 =	sadd.s32 s7, s5;
	s10 =	sadd.s32 s6, s5  }
0xb: {  	s5 =	sadd.s32 $0x4000, s4;
	s6 =	sadd.s32 $0x8000, s4;
	s7 =	sadd.s32 $0xC000, s4  }
0xc: {  	s8 =	sadd.s32 $0x10000, s4;
	s16 =	sshrl.u32 s4, $0x3;
	s9 =	sadd.s32 $0x3400, s10  }
0xd: {  	v0 =	vimm.f32 $0.0e+00;
	v1 =	vimm.f32 $1.000000000e+00;
	s10 =	sadd.s32 $0x8400, s11;
	s11 =	smax.u32 s12, $0x1;
	s12 =	simm.s32 $0x1400  }
.LBB2_1:
0xe: {  	s17 =	simm.s32 $0x0;
	s18 =	simm.s32 $0x200  }
.LBB2_2:
0xf: {  	p0 =	sne.s32 s18, $0xFE00;
	[tilespmem:s17+$0x1470] =	vst v0  }
0x10: {  	[tilespmem:s17+$0x1400] =	vst v0  }
0x11: {  	[tilespmem:s17+$0x1410] =	vst v0  }
.Ltmp0:
0x12: {  	[tilespmem:s17+$0x1420] =	vst v0;
	(pc) =	sbr.rel @p0 .LBB2_2-.Ltmp0, $4  }
0x13: {  	[tilespmem:s17+$0x1430] =	vst v0  }
0x14: {  	[tilespmem:s17+$0x1440] =	vst v0  }
0x15: {  	[tilespmem:s17+$0x1450] =	vst v0  }
0x16: {  	[tilespmem:s17+$0x1460] =	vst v0;
	s17 =	sshra.s32 s18, $0x2;
	s18 =	sadd.s32 $0x200, s18  }
0x17: {  	[tilespmem:s17+$0x1470] =	vst v0  }
0x18: {  	[tilespmem:s17+$0x1400] =	vst v0  }
0x19: {  	[tilespmem:s17+$0x1410] =	vst v0  }
0x1a: {  	[tilespmem:s17+$0x1420] =	vst v0  }
0x1b: {  	[tilespmem:s17+$0x1430] =	vst v0  }
0x1c: {  	[tilespmem:s17+$0x1440] =	vst v0  }
0x1d: {  	[tilespmem:s17+$0x1450] =	vst v0  }
0x1e: {  	[tilespmem:s17+$0x1460] =	vst v0  }
0x1f: {  	[spmem:s4] =	stream.linear.scatter [tilespmem:s12], [sflag:$0x1], $0x4000, $0x38;
	[tilespmem:$0x19400] =	vst v63  }
0x20: {  	_ =	swait.ge [sflag:s13], $0x4000  }
0x21: {  	[sflag:s13] =	ssyncset.done $0x0  }
0x22: {  	[sflag:s13] =	ssyncadd.s32 $0xFFFFC000  }
0x23: {  	[spmem:s5] =	stream.linear.scatter [tilespmem:s12], [sflag:$0x1], $0x4000, $0x38;
	[tilespmem:$0x19400] =	vst v63  }
0x24: {  	_ =	swait.ge [sflag:s13], $0x4000  }
0x25: {  	[sflag:s13] =	ssyncset.done $0x0  }
0x26: {  	[sflag:s13] =	ssyncadd.s32 $0xFFFFC000  }
0x27: {  	[spmem:s6] =	stream.linear.scatter [tilespmem:s12], [sflag:$0x1], $0x4000, $0x38;
	[tilespmem:$0x19400] =	vst v63  }
0x28: {  	_ =	swait.ge [sflag:s13], $0x4000  }
0x29: {  	[sflag:s13] =	ssyncset.done $0x0  }
0x2a: {  	[sflag:s13] =	ssyncadd.s32 $0xFFFFC000  }
0x2b: {  	[spmem:s7] =	stream.linear.scatter [tilespmem:s12], [sflag:$0x1], $0x4000, $0x38;
	[tilespmem:$0x19400] =	vst v63  }
0x2c: {  	_ =	swait.ge [sflag:s13], $0x4000  }
0x2d: {  	[sflag:s13] =	ssyncset.done $0x0  }
0x2e: {  	[sflag:s13] =	ssyncadd.s32 $0xFFFFC000  }
0x2f: {  	[spmem:s8] =	stream.linear.scatter [tilespmem:s12], [sflag:$0x1], $0x4000, $0x38;
	[tilespmem:$0x19400] =	vst v63  }
0x30: {  	_ =	swait.ge [sflag:s13], $0x4000  }
0x31: {  	[sflag:s13] =	ssyncset.done $0x0  }
0x32: {  	[sflag:s13] =	ssyncadd.s32 $0xFFFFC000  }
0x33: {  	s17 =	simm.s32 $0x0;
	s18 =	simm.s32 $0x200;
	[bflag:$0x0] =	sbarrier.arrive $0xFFFF  }
.LBB2_4:
0x34: {  	p0 =	sne.s32 s18, $0xFE00;
	[tilespmem:s17+$0x1470] =	vst v1  }
0x35: {  	[tilespmem:s17+$0x1400] =	vst v1  }
0x36: {  	[tilespmem:s17+$0x1410] =	vst v1  }
.Ltmp1:
0x37: {  	[tilespmem:s17+$0x1420] =	vst v1;
	(pc) =	sbr.rel @p0 .LBB2_4-.Ltmp1, $4  }
0x38: {  	[tilespmem:s17+$0x1430] =	vst v1  }
0x39: {  	[tilespmem:s17+$0x1440] =	vst v1  }
0x3a: {  	[tilespmem:s17+$0x1450] =	vst v1  }
0x3b: {  	[tilespmem:s17+$0x1460] =	vst v1;
	s17 =	sshra.s32 s18, $0x2;
	s18 =	sadd.s32 $0x200, s18  }
0x3c: {  	[tilespmem:s17+$0x1470] =	vst v1  }
0x3d: {  	[tilespmem:s17+$0x1400] =	vst v1  }
0x3e: {  	[tilespmem:s17+$0x1410] =	vst v1  }
0x3f: {  	[tilespmem:s17+$0x1420] =	vst v1  }
0x40: {  	[tilespmem:s17+$0x1430] =	vst v1  }
0x41: {  	[tilespmem:s17+$0x1440] =	vst v1  }
0x42: {  	[tilespmem:s17+$0x1450] =	vst v1  }
0x43: {  	[tilespmem:s17+$0x1460] =	vst v1;
	s30 =	simm.s32 $0x0  }
0x44: {  	[tilespmem:s30], [sflag:$0x1] =	stream.linear.gather [hbm4b:s9+s30], $0x1400, $0x38;
	[tilespmem:$0x19400] =	vst v63  }
0x45: {  	_ =	swait.ge [sflag:s13], $0x1400  }
0x46: {  	[sflag:s13] =	ssyncset.done $0x0  }
0x47: {  	s31 =	simm.s32 $0x0;
	[sflag:s13] =	ssyncadd.s32 $0xFFFFEC00  }
0x48: {  	[spmem:s2] =	stream.indirect.scatter.add.f32 [tilespmem:s12], [sflag:$0x1], $0x80, s31, s14, $0xb8;
	[tilespmem:$0x19400] =	vst v63  }
0x49: {  	_ =	swait.ge [sflag:s13], $0x4000  }
0x4a: {  	s17 =	simm.s32 $0x200;
	[sflag:s13] =	ssyncset.done $0x0  }
.LBB2_6:
0x4b: {  	s18 =	sshra.s32 s17, $0x2;
	[sflag:s13] =	ssyncadd.s32 $0xFFFFC000;
	p0 =	sne.s32 s17, $0x4E00  }
0x4c: {  	[spmem:s2] =	stream.indirect.scatter.add.f32 [tilespmem:s12], [sflag:$0x1], $0x80, s18, s14, $0xb8;
	[tilespmem:$0x19400] =	vst v63  }
.Ltmp2:
0x4d: {  	_ = 	snop;
	(pc) =	sbr.rel @p0 .LBB2_6-.Ltmp2, $4  }
0x4e: {  	_ = 	snop  }
0x4f: {  	s17 =	sadd.s32 $0x200, s17  }
0x50: {  	_ =	swait.ge [sflag:s13], $0x4000  }
0x51: {  	[sflag:s13] =	ssyncset.done $0x0  }
0x52: {  	s3 =	sadd.s32 $0x1, s3  }
0x53: {  	[sflag:s13] =	ssyncadd.s32 $0xFFFFC000;
	p0 =	sne.s32 s3, s11  }
.Ltmp3:
0x54: {  	[bflag:$0x0] =	sbarrier.arrive $0xFFFF;
	(pc) =	sbr.rel @p0 .LBB2_1-.Ltmp3, $4  }
0x55: {  	[hbm:s10], [sflag:s15] =	dma.local [spmem:s16], $0x2800  }
0x56: {  	_ =	swait.ge [sflag:s13], $0x2800  }
0x57: {  	[sflag:s13] =	ssyncset.done $0x0  }
0x58: {  	[sflag:s13] =	ssyncadd.s32 $0xFFFFD800  }
0x59: {  	_ =	sfence.sel $0x180000  }
0x5a: {  	[bflag:$0x0] =	sbarrier.arrive $0xFFFF  }
0x5b: {  	p0 =	sne.s32 s0, $0x0;
	_ =	strace $0x90000047  }
0x5c: {  	s0 =	sadd.s32 @!p0 $0x100000, s1;
	[bflag:$0x2] =	sbarrier.arrive $0xFFFF  }
0x5d: {  	[sflag:s0] =	ssyncadd.tile.s32 @!p0 $0x1;
	_ =	shalt  }
.Lfunc_end2:
_tile_overlayer_lowered:
.L_overlay_start_2:
0x5e: {  	(tag) =	ssettag $0x2  }
0x5f: {  	s0 =	rddreg [dreg:$0x0];
	s2 =	stileid.u32  }
0x60: {  	s1 =	rddreg [dreg:$0x1];
	p0 =	sne.s32 s2, $0x0  }
0x61: {  	s3 =	rddreg [dreg:$0x2];
	[bflag:$0x3] =	sbarrier.arrive $0xFFFF;
	s2 =	simm.s32 @!p0 $0x1C01  }
0x62: {  	[timem:s3], [sflag:s2] =	dma.local @!p0 [hbm:s0], s1  }
0x63: {  	s0 =	simm.s32 @!p0 $0x1  }
0x64: {  	_ =	swait.ge @!p0 [sflag:s0], s1  }
0x65: {  	s1 =	ssub.s32 @!p0 $0x0, s1;
	[sflag:s0] =	ssyncset.done @!p0 $0x0  }
0x66: {  	[sflag:s0] =	ssyncadd.s32 @!p0 s1  }
0x67: {  	[bflag:$0x3] =	sbarrier.arrive $0xFFFF  }
0x68: {  	_ =	shalt  }

</sc_bundles>
